<compile_context>
chip_gen: v7x
topology: tpu7x:2x2x1
jax: 0.10.2.dev20260603
libtpu: 0.0.44.dev20260713+nightly
codegen_flags: <defaults>
</compile_context>

<pallas_src>
import functools

import jax
import jax.numpy as jnp
from jax import lax
from jax.experimental import pallas as pl
from jax.experimental.pallas import tpu as pltpu
from jax.experimental.pallas import tpu_sc as plsc


_C = 160
_NBUF = 3
_N_WORKERS = 32


def _sc_gather2(user_tab, item_tab, uidx, iidx):
    b = uidx.shape[0]
    d = user_tab.shape[1]
    per_w = b // _N_WORKERS
    nchunks = per_w // _C
    mesh = plsc.VectorSubcoreMesh(core_axis_name="c", subcore_axis_name="s")

    scratch = []
    for _ in range(_NBUF):
        scratch += [pltpu.VMEM((_C,), jnp.int32),
                    pltpu.VMEM((_C,), jnp.int32),
                    pltpu.VMEM((_C, d), user_tab.dtype),
                    pltpu.VMEM((_C, d), item_tab.dtype)]
    scratch += [pltpu.SemaphoreType.DMA] * (6 * _NBUF)

    @functools.partial(
        pl.kernel,
        out_type=[
            jax.ShapeDtypeStruct((b, d), user_tab.dtype),
            jax.ShapeDtypeStruct((b, d), item_tab.dtype),
        ],
        mesh=mesh,
        scratch_types=scratch,
    )
    def gather_kernel(u_hbm, i_hbm, ui_hbm, ii_hbm, gu_hbm, gi_hbm, *scr):
        bufs = scr[:4 * _NBUF]
        sems = scr[4 * _NBUF:]

        def buf(bi, j):
            return bufs[4 * bi + j]

        def sem(bi, j):
            return sems[6 * bi + j]

        wid = lax.axis_index("s") * 2 + lax.axis_index("c")
        base = wid * per_w

        def idx_load(bi, off):
            return [
                pltpu.make_async_copy(ui_hbm.at[pl.ds(off, _C)], buf(bi, 0),
                                      sem(bi, 0)),
                pltpu.make_async_copy(ii_hbm.at[pl.ds(off, _C)], buf(bi, 1),
                                      sem(bi, 1)),
            ]

        def gath(bi):
            return [
                pltpu.make_async_copy(u_hbm.at[buf(bi, 0)], buf(bi, 2),
                                      sem(bi, 2)),
                pltpu.make_async_copy(i_hbm.at[buf(bi, 1)], buf(bi, 3),
                                      sem(bi, 3)),
            ]

        def wback(bi, row0):
            return [
                pltpu.make_async_copy(buf(bi, 2), gu_hbm.at[pl.ds(row0, _C)],
                                      sem(bi, 4)),
                pltpu.make_async_copy(buf(bi, 3), gi_hbm.at[pl.ds(row0, _C)],
                                      sem(bi, 5)),
            ]

        for bi in range(_NBUF):
            for c in idx_load(bi, base + bi * _C):
                c.start()

        @pl.loop(0, nchunks, step=_NBUF)
        def _(outer):
            for bi in range(_NBUF):
                @pl.when(outer >= _NBUF)
                def _():
                    for c in wback(bi, base):
                        c.wait()
                for c in idx_load(bi, base):
                    c.wait()
                for c in gath(bi):
                    c.start()
            for bi in range(_NBUF):
                g = outer + bi
                for c in gath(bi):
                    c.wait()
                for c in wback(bi, base + g * _C):
                    c.start()

                @pl.when(outer + _NBUF < nchunks)
                def _():
                    for c in idx_load(bi, base + (g + _NBUF) * _C):
                        c.start()

        for bi in range(_NBUF):
            for c in wback(bi, base):
                c.wait()

    return gather_kernel(user_tab, item_tab, uidx, iidx)


def _tc_combine(review, gu, gi, wr, wu, wi):
    m, k = review.shape
    n = wr.shape[1]
    bm = 2000

    def body(r_ref, gu_ref, gi_ref, wr_ref, wu_ref, wi_ref, o_ref):
        r16 = r_ref[...].astype(jnp.bfloat16)
        acc = jnp.dot(r16, wr_ref[...].astype(jnp.bfloat16),
                      preferred_element_type=jnp.float32)
        acc += jnp.dot(gu_ref[...].astype(jnp.bfloat16),
                       wu_ref[...].astype(jnp.bfloat16),
                       preferred_element_type=jnp.float32)
        acc += jnp.dot(gi_ref[...].astype(jnp.bfloat16),
                       wi_ref[...].astype(jnp.bfloat16),
                       preferred_element_type=jnp.float32)
        o_ref[...] = jnp.maximum(acc, 0.0)

    row_spec = pl.BlockSpec((bm, k), lambda i: (i, 0))
    w_spec = pl.BlockSpec((k, n), lambda i: (0, 0))
    return pl.pallas_call(
        body,
        grid=(m // bm,),
        in_specs=[row_spec, row_spec, row_spec, w_spec, w_spec, w_spec],
        out_specs=pl.BlockSpec((bm, n), lambda i: (i, 0)),
        out_shape=jax.ShapeDtypeStruct((m, n), jnp.float32),
    )(review, gu, gi, wr, wu, wi)


def kernel(review_feats, user_feats, item_feats, user_idx, item_idx, W):
    m, d = review_feats.shape

    pkey = jax.random.key(1)
    perm_i = jax.random.permutation(jax.random.fold_in(pkey, 0), d)
    perm_u = jax.random.permutation(jax.random.fold_in(pkey, 1), d)
    wr = W[0:d]
    wu = W[d:2 * d][jnp.argsort(perm_u)]
    wi = W[2 * d:3 * d][jnp.argsort(perm_i)]

    chunk = _C * _NBUF * _N_WORKERS
    bpad = ((m + chunk - 1) // chunk) * chunk
    pad_idx = jnp.arange(bpad - m, dtype=jnp.int32) % user_feats.shape[0]
    uidx = jnp.concatenate([user_idx.astype(jnp.int32), pad_idx])
    iidx = jnp.concatenate([item_idx.astype(jnp.int32), pad_idx])

    gu, gi = _sc_gather2(user_feats, item_feats, uidx, iidx)
    return _tc_combine(review_feats, gu, gi, wr, wu, wi)

# --- scband reference (transcript-rebuilt; emitter-appended) ---
"""Pipeline reference for scband-concatenation-aggregator-16758962389079 (READ-ONLY COPY).

The authoritative reference and input builder live on the scoring server;
editing this copy changes nothing except your own understanding.
"""

import jax, jax.numpy as jnp
import numpy as np


def setup_inputs(seed: int = 0) -> dict:
    key = jax.random.key(seed)
    k1, k2, k3, k4, k5, k6 = jax.random.split(key, 6)
    review_feats = jax.random.normal(k1, (100000, 128), dtype=jnp.float32)
    user_feats = jax.random.normal(k2, (50000, 128), dtype=jnp.float32)
    item_feats = jax.random.normal(k3, (50000, 128), dtype=jnp.float32)
    user_idx = jax.random.randint(k4, (100000,), 0, 50000, dtype=jnp.int64)
    item_idx = jax.random.randint(k5, (100000,), 0, 50000, dtype=jnp.int64)
    # learned parameter: con_agg_weights [input_dim=384, output_dim=128]
    W = jax.random.normal(k6, (384, 128), dtype=jnp.float32) * (1.0 / np.sqrt(384.0))
    return {"review_feats": review_feats, "user_feats": user_feats,
            "item_feats": item_feats, "user_idx": user_idx,
            "item_idx": item_idx, "W": W}


def reference(review_feats, user_feats, item_feats, user_idx, item_idx, W):
    # dropout rate is 0.0 -> identity (tf.nn.dropout with rate 0 is a no-op)
    review_vecs = review_feats
    user_vecs = user_feats
    item_vecs = item_feats
    # embedding lookups (gather rows) -- SparseCore-friendly
    ri = jnp.take(item_vecs, item_idx.astype(jnp.int32), axis=0)
    ru = jnp.take(user_vecs, user_idx.astype(jnp.int32), axis=0)
    # tf.transpose(tf.random.shuffle(tf.transpose(x))) == shuffle columns;
    # use fixed permutations for determinism
    pkey = jax.random.key(1)
    perm_i = jax.random.permutation(jax.random.fold_in(pkey, 0), ri.shape[1])
    perm_u = jax.random.permutation(jax.random.fold_in(pkey, 1), ru.shape[1])
    ri = ri[:, perm_i]
    ru = ru[:, perm_u]
    concate_vecs = jnp.concatenate([review_vecs, ru, ri], axis=1)
    output = jnp.matmul(concate_vecs, W)
    return jax.nn.relu(output)

if __name__ == "__main__":
    import jax
    _d = setup_inputs()
    print(jax.jit(kernel)(*tuple(_d.values())))

</pallas_src>

<mosaic_0001>
#map = affine_map<(d0, d1) -> (0, 0)>
#map1 = affine_map<(d0, d1) -> (0)>
module attributes {stable_mosaic.version = 14 : i64} {
  func.func @gather_kernel(%arg0: i32, %arg1: i32, %arg2: memref<50000x128xf32, #tpu.memory_space<hbm>>, %arg3: memref<50000x128xf32, #tpu.memory_space<hbm>>, %arg4: memref<107520xi32, #tpu.memory_space<hbm>>, %arg5: memref<107520xi32, #tpu.memory_space<hbm>>, %arg6: memref<107520x128xf32, #tpu.memory_space<hbm>>, %arg7: memref<107520x128xf32, #tpu.memory_space<hbm>>, %arg8: memref<160xi32, #tpu.memory_space<vmem>>, %arg9: memref<160xi32, #tpu.memory_space<vmem>>, %arg10: memref<160x128xf32, #tpu.memory_space<vmem>>, %arg11: memref<160x128xf32, #tpu.memory_space<vmem>>, %arg12: memref<160xi32, #tpu.memory_space<vmem>>, %arg13: memref<160xi32, #tpu.memory_space<vmem>>, %arg14: memref<160x128xf32, #tpu.memory_space<vmem>>, %arg15: memref<160x128xf32, #tpu.memory_space<vmem>>, %arg16: memref<160xi32, #tpu.memory_space<vmem>>, %arg17: memref<160xi32, #tpu.memory_space<vmem>>, %arg18: memref<160x128xf32, #tpu.memory_space<vmem>>, %arg19: memref<160x128xf32, #tpu.memory_space<vmem>>, %arg20: memref<!tpu.dma_semaphore, #tpu.memory_space<semaphore_mem>>, %arg21: memref<!tpu.dma_semaphore, #tpu.memory_space<semaphore_mem>>, %arg22: memref<!tpu.dma_semaphore, #tpu.memory_space<semaphore_mem>>, %arg23: memref<!tpu.dma_semaphore, #tpu.memory_space<semaphore_mem>>, %arg24: memref<!tpu.dma_semaphore, #tpu.memory_space<semaphore_mem>>, %arg25: memref<!tpu.dma_semaphore, #tpu.memory_space<semaphore_mem>>, %arg26: memref<!tpu.dma_semaphore, #tpu.memory_space<semaphore_mem>>, %arg27: memref<!tpu.dma_semaphore, #tpu.memory_space<semaphore_mem>>, %arg28: memref<!tpu.dma_semaphore, #tpu.memory_space<semaphore_mem>>, %arg29: memref<!tpu.dma_semaphore, #tpu.memory_space<semaphore_mem>>, %arg30: memref<!tpu.dma_semaphore, #tpu.memory_space<semaphore_mem>>, %arg31: memref<!tpu.dma_semaphore, #tpu.memory_space<semaphore_mem>>, %arg32: memref<!tpu.dma_semaphore, #tpu.memory_space<semaphore_mem>>, %arg33: memref<!tpu.dma_semaphore, #tpu.memory_space<semaphore_mem>>, %arg34: memref<!tpu.dma_semaphore, #tpu.memory_space<semaphore_mem>>, %arg35: memref<!tpu.dma_semaphore, #tpu.memory_space<semaphore_mem>>, %arg36: memref<!tpu.dma_semaphore, #tpu.memory_space<semaphore_mem>>, %arg37: memref<!tpu.dma_semaphore, #tpu.memory_space<semaphore_mem>>) attributes {dimension_semantics = [#tpu.dimension_semantics<core_parallel>, #tpu.dimension_semantics<subcore_parallel>], iteration_bounds = array<i64: 2, 16>, scalar_prefetch = 0 : i64, scratch_operands = 30 : i64, tpu.core_type = #tpu.core_type<sc_vector_subcore>, window_params = [{transform_indices = #map}, {transform_indices = #map}, {transform_indices = #map1}, {transform_indices = #map1}, {transform_indices = #map}, {transform_indices = #map}]} {
    %mul3A = arith.constant 2 : i32
    %mul3A_0 = arith.muli %arg1, %mul3A : i32
    %add3A = arith.addi %mul3A_0, %arg0 : i32
    %mul3A_1 = arith.constant 3360 : i32
    %mul3A_2 = arith.muli %add3A, %mul3A_1 : i32
    %add3A_3 = arith.constant 0 : i32
    %add3A_4 = arith.addi %mul3A_2, %add3A_3 : i32
    %dma_start3A = tpu.memref_slice %arg4[%add3A_4] : memref<107520xi32, #tpu.memory_space<hbm>> -> memref<160xi32, #tpu.memory_space<hbm>>
    %dma_start3A_5 = tpu.memref_slice %arg4[%add3A_4] : memref<107520xi32, #tpu.memory_space<hbm>> -> memref<160xi32, #tpu.memory_space<hbm>>
    tpu.enqueue_dma source(%dma_start3A_5 : memref<160xi32, #tpu.memory_space<hbm>>) target(%arg8 : memref<160xi32, #tpu.memory_space<vmem>>) target_semaphore(%arg20 : memref<!tpu.dma_semaphore, #tpu.memory_space<semaphore_mem>>)
    %dma_start3A_6 = tpu.memref_slice %arg5[%add3A_4] : memref<107520xi32, #tpu.memory_space<hbm>> -> memref<160xi32, #tpu.memory_space<hbm>>
    %dma_start3A_7 = tpu.memref_slice %arg5[%add3A_4] : memref<107520xi32, #tpu.memory_space<hbm>> -> memref<160xi32, #tpu.memory_space<hbm>>
    tpu.enqueue_dma source(%dma_start3A_7 : memref<160xi32, #tpu.memory_space<hbm>>) target(%arg9 : memref<160xi32, #tpu.memory_space<vmem>>) target_semaphore(%arg21 : memref<!tpu.dma_semaphore, #tpu.memory_space<semaphore_mem>>)
    %add3A_8 = arith.constant 160 : i32
    %add3A_9 = arith.addi %mul3A_2, %add3A_8 : i32
    %dma_start3A_10 = tpu.memref_slice %arg4[%add3A_9] : memref<107520xi32, #tpu.memory_space<hbm>> -> memref<160xi32, #tpu.memory_space<hbm>>
    %dma_start3A_11 = tpu.memref_slice %arg4[%add3A_9] : memref<107520xi32, #tpu.memory_space<hbm>> -> memref<160xi32, #tpu.memory_space<hbm>>
    tpu.enqueue_dma source(%dma_start3A_11 : memref<160xi32, #tpu.memory_space<hbm>>) target(%arg12 : memref<160xi32, #tpu.memory_space<vmem>>) target_semaphore(%arg26 : memref<!tpu.dma_semaphore, #tpu.memory_space<semaphore_mem>>)
    %dma_start3A_12 = tpu.memref_slice %arg5[%add3A_9] : memref<107520xi32, #tpu.memory_space<hbm>> -> memref<160xi32, #tpu.memory_space<hbm>>
    %dma_start3A_13 = tpu.memref_slice %arg5[%add3A_9] : memref<107520xi32, #tpu.memory_space<hbm>> -> memref<160xi32, #tpu.memory_space<hbm>>
    tpu.enqueue_dma source(%dma_start3A_13 : memref<160xi32, #tpu.memory_space<hbm>>) target(%arg13 : memref<160xi32, #tpu.memory_space<vmem>>) target_semaphore(%arg27 : memref<!tpu.dma_semaphore, #tpu.memory_space<semaphore_mem>>)
    %add3A_14 = arith.constant 320 : i32
    %add3A_15 = arith.addi %mul3A_2, %add3A_14 : i32
    %dma_start3A_16 = tpu.memref_slice %arg4[%add3A_15] : memref<107520xi32, #tpu.memory_space<hbm>> -> memref<160xi32, #tpu.memory_space<hbm>>
    %dma_start3A_17 = tpu.memref_slice %arg4[%add3A_15] : memref<107520xi32, #tpu.memory_space<hbm>> -> memref<160xi32, #tpu.memory_space<hbm>>
    tpu.enqueue_dma source(%dma_start3A_17 : memref<160xi32, #tpu.memory_space<hbm>>) target(%arg16 : memref<160xi32, #tpu.memory_space<vmem>>) target_semaphore(%arg32 : memref<!tpu.dma_semaphore, #tpu.memory_space<semaphore_mem>>)
    %dma_start3A_18 = tpu.memref_slice %arg5[%add3A_15] : memref<107520xi32, #tpu.memory_space<hbm>> -> memref<160xi32, #tpu.memory_space<hbm>>
    %dma_start3A_19 = tpu.memref_slice %arg5[%add3A_15] : memref<107520xi32, #tpu.memory_space<hbm>> -> memref<160xi32, #tpu.memory_space<hbm>>
    tpu.enqueue_dma source(%dma_start3A_19 : memref<160xi32, #tpu.memory_space<hbm>>) target(%arg17 : memref<160xi32, #tpu.memory_space<vmem>>) target_semaphore(%arg33 : memref<!tpu.dma_semaphore, #tpu.memory_space<semaphore_mem>>)
    %scan3A = arith.constant 0 : i32
    %scan3A_20 = arith.constant 7 : i32
    %scan3A_21 = arith.addi %scan3A, %scan3A_20 : i32
    %scan3A_22 = arith.constant 1 : i32
    scf.for %scan3A_47 = %scan3A to %scan3A_21 step %scan3A_22  : i32 {
      %mul3A_48 = arith.constant 3 : i32
      %mul3A_49 = arith.muli %scan3A_47, %mul3A_48 : i32
      %add3A_50 = arith.constant 0 : i32
      %add3A_51 = arith.addi %add3A_50, %mul3A_49 : i32
      %ge3A = arith.constant 3 : i32
      %ge3A_52 = arith.cmpi sge, %add3A_51, %ge3A : i32
      %convert_element_type3A = arith.extui %ge3A_52 : i1 to i32
      %cond3A = arith.constant 0 : i32
      %cond3A_53 = arith.cmpi ne, %convert_element_type3A, %cond3A : i32
      scf.if %cond3A_53 {
        %dma_wait3A_171 = arith.constant 0 : i32
        %dma_wait3A_172 = tpu.memref_slice %arg6[%mul3A_2, %dma_wait3A_171] : memref<107520x128xf32, #tpu.memory_space<hbm>> -> memref<160x128xf32, #tpu.memory_space<hbm>>
        %dma_wait3A_173 = arith.constant 0 : i32
        %dma_wait3A_174 = tpu.memref_slice %arg6[%mul3A_2, %dma_wait3A_173] : memref<107520x128xf32, #tpu.memory_space<hbm>> -> memref<160x128xf32, #tpu.memory_space<hbm>>
        tpu.wait_dma2 semaphore(%arg24 : memref<!tpu.dma_semaphore, #tpu.memory_space<semaphore_mem>>) src(%arg10 : memref<160x128xf32, #tpu.memory_space<vmem>>) dst(%dma_wait3A_174 : memref<160x128xf32, #tpu.memory_space<hbm>>)
        %dma_wait3A_175 = arith.constant 0 : i32
        %dma_wait3A_176 = tpu.memref_slice %arg7[%mul3A_2, %dma_wait3A_175] : memref<107520x128xf32, #tpu.memory_space<hbm>> -> memref<160x128xf32, #tpu.memory_space<hbm>>
        %dma_wait3A_177 = arith.constant 0 : i32
        %dma_wait3A_178 = tpu.memref_slice %arg7[%mul3A_2, %dma_wait3A_177] : memref<107520x128xf32, #tpu.memory_space<hbm>> -> memref<160x128xf32, #tpu.memory_space<hbm>>
        tpu.wait_dma2 semaphore(%arg25 : memref<!tpu.dma_semaphore, #tpu.memory_space<semaphore_mem>>) src(%arg11 : memref<160x128xf32, #tpu.memory_space<vmem>>) dst(%dma_wait3A_178 : memref<160x128xf32, #tpu.memory_space<hbm>>)
      } else {
      }
      %dma_wait3A_54 = tpu.memref_slice %arg4[%mul3A_2] : memref<107520xi32, #tpu.memory_space<hbm>> -> memref<160xi32, #tpu.memory_space<hbm>>
      %dma_wait3A_55 = tpu.memref_slice %arg4[%mul3A_2] : memref<107520xi32, #tpu.memory_space<hbm>> -> memref<160xi32, #tpu.memory_space<hbm>>
      tpu.wait_dma2 semaphore(%arg20 : memref<!tpu.dma_semaphore, #tpu.memory_space<semaphore_mem>>) src(%dma_wait3A_55 : memref<160xi32, #tpu.memory_space<hbm>>) dst(%arg8 : memref<160xi32, #tpu.memory_space<vmem>>)
      %dma_wait3A_56 = tpu.memref_slice %arg5[%mul3A_2] : memref<107520xi32, #tpu.memory_space<hbm>> -> memref<160xi32, #tpu.memory_space<hbm>>
      %dma_wait3A_57 = tpu.memref_slice %arg5[%mul3A_2] : memref<107520xi32, #tpu.memory_space<hbm>> -> memref<160xi32, #tpu.memory_space<hbm>>
      tpu.wait_dma2 semaphore(%arg21 : memref<!tpu.dma_semaphore, #tpu.memory_space<semaphore_mem>>) src(%dma_wait3A_57 : memref<160xi32, #tpu.memory_space<hbm>>) dst(%arg9 : memref<160xi32, #tpu.memory_space<vmem>>)
      %dma_start3A_58 = arith.constant 0 : i32
      %dma_start3A_59 = arith.constant 0 : i32
      %dma_start3A_60 = tpu.memref_slice %arg2[%dma_start3A_58, %dma_start3A_59] : memref<50000x128xf32, #tpu.memory_space<hbm>> -> memref<50000x128xf32, #tpu.memory_space<hbm>>
      tpu.enqueue_indirect_dma source(%dma_start3A_60 : memref<50000x128xf32, #tpu.memory_space<hbm>>) target(%arg10 : memref<160x128xf32, #tpu.memory_space<vmem>>) offsets(%arg8 : memref<160xi32, #tpu.memory_space<vmem>>) semaphore(%arg22 : memref<!tpu.dma_semaphore, #tpu.memory_space<semaphore_mem>>)
      %dma_start3A_61 = arith.constant 0 : i32
      %dma_start3A_62 = arith.constant 0 : i32
      %dma_start3A_63 = tpu.memref_slice %arg3[%dma_start3A_61, %dma_start3A_62] : memref<50000x128xf32, #tpu.memory_space<hbm>> -> memref<50000x128xf32, #tpu.memory_space<hbm>>
      tpu.enqueue_indirect_dma source(%dma_start3A_63 : memref<50000x128xf32, #tpu.memory_space<hbm>>) target(%arg11 : memref<160x128xf32, #tpu.memory_space<vmem>>) offsets(%arg9 : memref<160xi32, #tpu.memory_space<vmem>>) semaphore(%arg23 : memref<!tpu.dma_semaphore, #tpu.memory_space<semaphore_mem>>)
      %ge3A_64 = arith.constant 3 : i32
      %ge3A_65 = arith.cmpi sge, %add3A_51, %ge3A_64 : i32
      %convert_element_type3A_66 = arith.extui %ge3A_65 : i1 to i32
      %cond3A_67 = arith.constant 0 : i32
      %cond3A_68 = arith.cmpi ne, %convert_element_type3A_66, %cond3A_67 : i32
      scf.if %cond3A_68 {
        %dma_wait3A_171 = arith.constant 0 : i32
        %dma_wait3A_172 = tpu.memref_slice %arg6[%mul3A_2, %dma_wait3A_171] : memref<107520x128xf32, #tpu.memory_space<hbm>> -> memref<160x128xf32, #tpu.memory_space<hbm>>
        %dma_wait3A_173 = arith.constant 0 : i32
        %dma_wait3A_174 = tpu.memref_slice %arg6[%mul3A_2, %dma_wait3A_173] : memref<107520x128xf32, #tpu.memory_space<hbm>> -> memref<160x128xf32, #tpu.memory_space<hbm>>
        tpu.wait_dma2 semaphore(%arg30 : memref<!tpu.dma_semaphore, #tpu.memory_space<semaphore_mem>>) src(%arg14 : memref<160x128xf32, #tpu.memory_space<vmem>>) dst(%dma_wait3A_174 : memref<160x128xf32, #tpu.memory_space<hbm>>)
        %dma_wait3A_175 = arith.constant 0 : i32
        %dma_wait3A_176 = tpu.memref_slice %arg7[%mul3A_2, %dma_wait3A_175] : memref<107520x128xf32, #tpu.memory_space<hbm>> -> memref<160x128xf32, #tpu.memory_space<hbm>>
        %dma_wait3A_177 = arith.constant 0 : i32
        %dma_wait3A_178 = tpu.memref_slice %arg7[%mul3A_2, %dma_wait3A_177] : memref<107520x128xf32, #tpu.memory_space<hbm>> -> memref<160x128xf32, #tpu.memory_space<hbm>>
        tpu.wait_dma2 semaphore(%arg31 : memref<!tpu.dma_semaphore, #tpu.memory_space<semaphore_mem>>) src(%arg15 : memref<160x128xf32, #tpu.memory_space<vmem>>) dst(%dma_wait3A_178 : memref<160x128xf32, #tpu.memory_space<hbm>>)
      } else {
      }
      %dma_wait3A_69 = tpu.memref_slice %arg4[%mul3A_2] : memref<107520xi32, #tpu.memory_space<hbm>> -> memref<160xi32, #tpu.memory_space<hbm>>
      %dma_wait3A_70 = tpu.memref_slice %arg4[%mul3A_2] : memref<107520xi32, #tpu.memory_space<hbm>> -> memref<160xi32, #tpu.memory_space<hbm>>
      tpu.wait_dma2 semaphore(%arg26 : memref<!tpu.dma_semaphore, #tpu.memory_space<semaphore_mem>>) src(%dma_wait3A_70 : memref<160xi32, #tpu.memory_space<hbm>>) dst(%arg12 : memref<160xi32, #tpu.memory_space<vmem>>)
      %dma_wait3A_71 = tpu.memref_slice %arg5[%mul3A_2] : memref<107520xi32, #tpu.memory_space<hbm>> -> memref<160xi32, #tpu.memory_space<hbm>>
      %dma_wait3A_72 = tpu.memref_slice %arg5[%mul3A_2] : memref<107520xi32, #tpu.memory_space<hbm>> -> memref<160xi32, #tpu.memory_space<hbm>>
      tpu.wait_dma2 semaphore(%arg27 : memref<!tpu.dma_semaphore, #tpu.memory_space<semaphore_mem>>) src(%dma_wait3A_72 : memref<160xi32, #tpu.memory_space<hbm>>) dst(%arg13 : memref<160xi32, #tpu.memory_space<vmem>>)
      %dma_start3A_73 = arith.constant 0 : i32
      %dma_start3A_74 = arith.constant 0 : i32
      %dma_start3A_75 = tpu.memref_slice %arg2[%dma_start3A_73, %dma_start3A_74] : memref<50000x128xf32, #tpu.memory_space<hbm>> -> memref<50000x128xf32, #tpu.memory_space<hbm>>
      tpu.enqueue_indirect_dma source(%dma_start3A_75 : memref<50000x128xf32, #tpu.memory_space<hbm>>) target(%arg14 : memref<160x128xf32, #tpu.memory_space<vmem>>) offsets(%arg12 : memref<160xi32, #tpu.memory_space<vmem>>) semaphore(%arg28 : memref<!tpu.dma_semaphore, #tpu.memory_space<semaphore_mem>>)
      %dma_start3A_76 = arith.constant 0 : i32
      %dma_start3A_77 = arith.constant 0 : i32
      %dma_start3A_78 = tpu.memref_slice %arg3[%dma_start3A_76, %dma_start3A_77] : memref<50000x128xf32, #tpu.memory_space<hbm>> -> memref<50000x128xf32, #tpu.memory_space<hbm>>
      tpu.enqueue_indirect_dma source(%dma_start3A_78 : memref<50000x128xf32, #tpu.memory_space<hbm>>) target(%arg15 : memref<160x128xf32, #tpu.memory_space<vmem>>) offsets(%arg13 : memref<160xi32, #tpu.memory_space<vmem>>) semaphore(%arg29 : memref<!tpu.dma_semaphore, #tpu.memory_space<semaphore_mem>>)
      %ge3A_79 = arith.constant 3 : i32
      %ge3A_80 = arith.cmpi sge, %add3A_51, %ge3A_79 : i32
      %convert_element_type3A_81 = arith.extui %ge3A_80 : i1 to i32
      %cond3A_82 = arith.constant 0 : i32
      %cond3A_83 = arith.cmpi ne, %convert_element_type3A_81, %cond3A_82 : i32
      scf.if %cond3A_83 {
        %dma_wait3A_171 = arith.constant 0 : i32
        %dma_wait3A_172 = tpu.memref_slice %arg6[%mul3A_2, %dma_wait3A_171] : memref<107520x128xf32, #tpu.memory_space<hbm>> -> memref<160x128xf32, #tpu.memory_space<hbm>>
        %dma_wait3A_173 = arith.constant 0 : i32
        %dma_wait3A_174 = tpu.memref_slice %arg6[%mul3A_2, %dma_wait3A_173] : memref<107520x128xf32, #tpu.memory_space<hbm>> -> memref<160x128xf32, #tpu.memory_space<hbm>>
        tpu.wait_dma2 semaphore(%arg36 : memref<!tpu.dma_semaphore, #tpu.memory_space<semaphore_mem>>) src(%arg18 : memref<160x128xf32, #tpu.memory_space<vmem>>) dst(%dma_wait3A_174 : memref<160x128xf32, #tpu.memory_space<hbm>>)
        %dma_wait3A_175 = arith.constant 0 : i32
        %dma_wait3A_176 = tpu.memref_slice %arg7[%mul3A_2, %dma_wait3A_175] : memref<107520x128xf32, #tpu.memory_space<hbm>> -> memref<160x128xf32, #tpu.memory_space<hbm>>
        %dma_wait3A_177 = arith.constant 0 : i32
        %dma_wait3A_178 = tpu.memref_slice %arg7[%mul3A_2, %dma_wait3A_177] : memref<107520x128xf32, #tpu.memory_space<hbm>> -> memref<160x128xf32, #tpu.memory_space<hbm>>
        tpu.wait_dma2 semaphore(%arg37 : memref<!tpu.dma_semaphore, #tpu.memory_space<semaphore_mem>>) src(%arg19 : memref<160x128xf32, #tpu.memory_space<vmem>>) dst(%dma_wait3A_178 : memref<160x128xf32, #tpu.memory_space<hbm>>)
      } else {
      }
      %dma_wait3A_84 = tpu.memref_slice %arg4[%mul3A_2] : memref<107520xi32, #tpu.memory_space<hbm>> -> memref<160xi32, #tpu.memory_space<hbm>>
      %dma_wait3A_85 = tpu.memref_slice %arg4[%mul3A_2] : memref<107520xi32, #tpu.memory_space<hbm>> -> memref<160xi32, #tpu.memory_space<hbm>>
      tpu.wait_dma2 semaphore(%arg32 : memref<!tpu.dma_semaphore, #tpu.memory_space<semaphore_mem>>) src(%dma_wait3A_85 : memref<160xi32, #tpu.memory_space<hbm>>) dst(%arg16 : memref<160xi32, #tpu.memory_space<vmem>>)
      %dma_wait3A_86 = tpu.memref_slice %arg5[%mul3A_2] : memref<107520xi32, #tpu.memory_space<hbm>> -> memref<160xi32, #tpu.memory_space<hbm>>
      %dma_wait3A_87 = tpu.memref_slice %arg5[%mul3A_2] : memref<107520xi32, #tpu.memory_space<hbm>> -> memref<160xi32, #tpu.memory_space<hbm>>
      tpu.wait_dma2 semaphore(%arg33 : memref<!tpu.dma_semaphore, #tpu.memory_space<semaphore_mem>>) src(%dma_wait3A_87 : memref<160xi32, #tpu.memory_space<hbm>>) dst(%arg17 : memref<160xi32, #tpu.memory_space<vmem>>)
      %dma_start3A_88 = arith.constant 0 : i32
      %dma_start3A_89 = arith.constant 0 : i32
      %dma_start3A_90 = tpu.memref_slice %arg2[%dma_start3A_88, %dma_start3A_89] : memref<50000x128xf32, #tpu.memory_space<hbm>> -> memref<50000x128xf32, #tpu.memory_space<hbm>>
      tpu.enqueue_indirect_dma source(%dma_start3A_90 : memref<50000x128xf32, #tpu.memory_space<hbm>>) target(%arg18 : memref<160x128xf32, #tpu.memory_space<vmem>>) offsets(%arg16 : memref<160xi32, #tpu.memory_space<vmem>>) semaphore(%arg34 : memref<!tpu.dma_semaphore, #tpu.memory_space<semaphore_mem>>)
      %dma_start3A_91 = arith.constant 0 : i32
      %dma_start3A_92 = arith.constant 0 : i32
      %dma_start3A_93 = tpu.memref_slice %arg3[%dma_start3A_91, %dma_start3A_92] : memref<50000x128xf32, #tpu.memory_space<hbm>> -> memref<50000x128xf32, #tpu.memory_space<hbm>>
      tpu.enqueue_indirect_dma source(%dma_start3A_93 : memref<50000x128xf32, #tpu.memory_space<hbm>>) target(%arg19 : memref<160x128xf32, #tpu.memory_space<vmem>>) offsets(%arg17 : memref<160xi32, #tpu.memory_space<vmem>>) semaphore(%arg35 : memref<!tpu.dma_semaphore, #tpu.memory_space<semaphore_mem>>)
      %add3A_94 = arith.constant 0 : i32
      %add3A_95 = arith.addi %add3A_51, %add3A_94 : i32
      %dma_wait3A_96 = arith.constant 0 : i32
      %dma_wait3A_97 = arith.constant 0 : i32
      %dma_wait3A_98 = tpu.memref_slice %arg2[%dma_wait3A_96, %dma_wait3A_97] : memref<50000x128xf32, #tpu.memory_space<hbm>> -> memref<50000x128xf32, #tpu.memory_space<hbm>>
      tpu.wait_indirect_dma semaphore(%arg22 : memref<!tpu.dma_semaphore, #tpu.memory_space<semaphore_mem>>) src(%dma_wait3A_98 : memref<50000x128xf32, #tpu.memory_space<hbm>>) dst(%arg10 : memref<160x128xf32, #tpu.memory_space<vmem>>)
      %dma_wait3A_99 = arith.constant 0 : i32
      %dma_wait3A_100 = arith.constant 0 : i32
      %dma_wait3A_101 = tpu.memref_slice %arg3[%dma_wait3A_99, %dma_wait3A_100] : memref<50000x128xf32, #tpu.memory_space<hbm>> -> memref<50000x128xf32, #tpu.memory_space<hbm>>
      tpu.wait_indirect_dma semaphore(%arg23 : memref<!tpu.dma_semaphore, #tpu.memory_space<semaphore_mem>>) src(%dma_wait3A_101 : memref<50000x128xf32, #tpu.memory_space<hbm>>) dst(%arg11 : memref<160x128xf32, #tpu.memory_space<vmem>>)
      %mul3A_102 = arith.constant 160 : i32
      %mul3A_103 = arith.muli %add3A_95, %mul3A_102 : i32
      %add3A_104 = arith.addi %mul3A_2, %mul3A_103 : i32
      %dma_start3A_105 = arith.constant 0 : i32
      %dma_start3A_106 = tpu.memref_slice %arg6[%add3A_104, %dma_start3A_105] : memref<107520x128xf32, #tpu.memory_space<hbm>> -> memref<160x128xf32, #tpu.memory_space<hbm>>
      %dma_start3A_107 = arith.constant 0 : i32
      %dma_start3A_108 = tpu.memref_slice %arg6[%add3A_104, %dma_start3A_107] : memref<107520x128xf32, #tpu.memory_space<hbm>> -> memref<160x128xf32, #tpu.memory_space<hbm>>
      tpu.enqueue_dma source(%arg10 : memref<160x128xf32, #tpu.memory_space<vmem>>) target(%dma_start3A_108 : memref<160x128xf32, #tpu.memory_space<hbm>>) target_semaphore(%arg24 : memref<!tpu.dma_semaphore, #tpu.memory_space<semaphore_mem>>)
      %dma_start3A_109 = arith.constant 0 : i32
      %dma_start3A_110 = tpu.memref_slice %arg7[%add3A_104, %dma_start3A_109] : memref<107520x128xf32, #tpu.memory_space<hbm>> -> memref<160x128xf32, #tpu.memory_space<hbm>>
      %dma_start3A_111 = arith.constant 0 : i32
      %dma_start3A_112 = tpu.memref_slice %arg7[%add3A_104, %dma_start3A_111] : memref<107520x128xf32, #tpu.memory_space<hbm>> -> memref<160x128xf32, #tpu.memory_space<hbm>>
      tpu.enqueue_dma source(%arg11 : memref<160x128xf32, #tpu.memory_space<vmem>>) target(%dma_start3A_112 : memref<160x128xf32, #tpu.memory_space<hbm>>) target_semaphore(%arg25 : memref<!tpu.dma_semaphore, #tpu.memory_space<semaphore_mem>>)
      %add3A_113 = arith.constant 3 : i32
      %add3A_114 = arith.addi %add3A_51, %add3A_113 : i32
      %lt3A = arith.constant 21 : i32
      %lt3A_115 = arith.cmpi slt, %add3A_114, %lt3A : i32
      %convert_element_type3A_116 = arith.extui %lt3A_115 : i1 to i32
      %cond3A_117 = arith.constant 0 : i32
      %cond3A_118 = arith.cmpi ne, %convert_element_type3A_116, %cond3A_117 : i32
      scf.if %cond3A_118 {
        %add3A_171 = arith.constant 3 : i32
        %add3A_172 = arith.addi %add3A_95, %add3A_171 : i32
        %mul3A_173 = arith.constant 160 : i32
        %mul3A_174 = arith.muli %add3A_172, %mul3A_173 : i32
        %add3A_175 = arith.addi %mul3A_2, %mul3A_174 : i32
        %dma_start3A_176 = tpu.memref_slice %arg4[%add3A_175] : memref<107520xi32, #tpu.memory_space<hbm>> -> memref<160xi32, #tpu.memory_space<hbm>>
        %dma_start3A_177 = tpu.memref_slice %arg4[%add3A_175] : memref<107520xi32, #tpu.memory_space<hbm>> -> memref<160xi32, #tpu.memory_space<hbm>>
        tpu.enqueue_dma source(%dma_start3A_177 : memref<160xi32, #tpu.memory_space<hbm>>) target(%arg8 : memref<160xi32, #tpu.memory_space<vmem>>) target_semaphore(%arg20 : memref<!tpu.dma_semaphore, #tpu.memory_space<semaphore_mem>>)
        %dma_start3A_178 = tpu.memref_slice %arg5[%add3A_175] : memref<107520xi32, #tpu.memory_space<hbm>> -> memref<160xi32, #tpu.memory_space<hbm>>
        %dma_start3A_179 = tpu.memref_slice %arg5[%add3A_175] : memref<107520xi32, #tpu.memory_space<hbm>> -> memref<160xi32, #tpu.memory_space<hbm>>
        tpu.enqueue_dma source(%dma_start3A_179 : memref<160xi32, #tpu.memory_space<hbm>>) target(%arg9 : memref<160xi32, #tpu.memory_space<vmem>>) target_semaphore(%arg21 : memref<!tpu.dma_semaphore, #tpu.memory_space<semaphore_mem>>)
      } else {
      }
      %add3A_119 = arith.constant 1 : i32
      %add3A_120 = arith.addi %add3A_51, %add3A_119 : i32
      %dma_wait3A_121 = arith.constant 0 : i32
      %dma_wait3A_122 = arith.constant 0 : i32
      %dma_wait3A_123 = tpu.memref_slice %arg2[%dma_wait3A_121, %dma_wait3A_122] : memref<50000x128xf32, #tpu.memory_space<hbm>> -> memref<50000x128xf32, #tpu.memory_space<hbm>>
      tpu.wait_indirect_dma semaphore(%arg28 : memref<!tpu.dma_semaphore, #tpu.memory_space<semaphore_mem>>) src(%dma_wait3A_123 : memref<50000x128xf32, #tpu.memory_space<hbm>>) dst(%arg14 : memref<160x128xf32, #tpu.memory_space<vmem>>)
      %dma_wait3A_124 = arith.constant 0 : i32
      %dma_wait3A_125 = arith.constant 0 : i32
      %dma_wait3A_126 = tpu.memref_slice %arg3[%dma_wait3A_124, %dma_wait3A_125] : memref<50000x128xf32, #tpu.memory_space<hbm>> -> memref<50000x128xf32, #tpu.memory_space<hbm>>
      tpu.wait_indirect_dma semaphore(%arg29 : memref<!tpu.dma_semaphore, #tpu.memory_space<semaphore_mem>>) src(%dma_wait3A_126 : memref<50000x128xf32, #tpu.memory_space<hbm>>) dst(%arg15 : memref<160x128xf32, #tpu.memory_space<vmem>>)
      %mul3A_127 = arith.constant 160 : i32
      %mul3A_128 = arith.muli %add3A_120, %mul3A_127 : i32
      %add3A_129 = arith.addi %mul3A_2, %mul3A_128 : i32
      %dma_start3A_130 = arith.constant 0 : i32
      %dma_start3A_131 = tpu.memref_slice %arg6[%add3A_129, %dma_start3A_130] : memref<107520x128xf32, #tpu.memory_space<hbm>> -> memref<160x128xf32, #tpu.memory_space<hbm>>
      %dma_start3A_132 = arith.constant 0 : i32
      %dma_start3A_133 = tpu.memref_slice %arg6[%add3A_129, %dma_start3A_132] : memref<107520x128xf32, #tpu.memory_space<hbm>> -> memref<160x128xf32, #tpu.memory_space<hbm>>
      tpu.enqueue_dma source(%arg14 : memref<160x128xf32, #tpu.memory_space<vmem>>) target(%dma_start3A_133 : memref<160x128xf32, #tpu.memory_space<hbm>>) target_semaphore(%arg30 : memref<!tpu.dma_semaphore, #tpu.memory_space<semaphore_mem>>)
      %dma_start3A_134 = arith.constant 0 : i32
      %dma_start3A_135 = tpu.memref_slice %arg7[%add3A_129, %dma_start3A_134] : memref<107520x128xf32, #tpu.memory_space<hbm>> -> memref<160x128xf32, #tpu.memory_space<hbm>>
      %dma_start3A_136 = arith.constant 0 : i32
      %dma_start3A_137 = tpu.memref_slice %arg7[%add3A_129, %dma_start3A_136] : memref<107520x128xf32, #tpu.memory_space<hbm>> -> memref<160x128xf32, #tpu.memory_space<hbm>>
      tpu.enqueue_dma source(%arg15 : memref<160x128xf32, #tpu.memory_space<vmem>>) target(%dma_start3A_137 : memref<160x128xf32, #tpu.memory_space<hbm>>) target_semaphore(%arg31 : memref<!tpu.dma_semaphore, #tpu.memory_space<semaphore_mem>>)
      %add3A_138 = arith.constant 3 : i32
      %add3A_139 = arith.addi %add3A_51, %add3A_138 : i32
      %lt3A_140 = arith.constant 21 : i32
      %lt3A_141 = arith.cmpi slt, %add3A_139, %lt3A_140 : i32
      %convert_element_type3A_142 = arith.extui %lt3A_141 : i1 to i32
      %cond3A_143 = arith.constant 0 : i32
      %cond3A_144 = arith.cmpi ne, %convert_element_type3A_142, %cond3A_143 : i32
      scf.if %cond3A_144 {
        %add3A_171 = arith.constant 3 : i32
        %add3A_172 = arith.addi %add3A_120, %add3A_171 : i32
        %mul3A_173 = arith.constant 160 : i32
        %mul3A_174 = arith.muli %add3A_172, %mul3A_173 : i32
        %add3A_175 = arith.addi %mul3A_2, %mul3A_174 : i32
        %dma_start3A_176 = tpu.memref_slice %arg4[%add3A_175] : memref<107520xi32, #tpu.memory_space<hbm>> -> memref<160xi32, #tpu.memory_space<hbm>>
        %dma_start3A_177 = tpu.memref_slice %arg4[%add3A_175] : memref<107520xi32, #tpu.memory_space<hbm>> -> memref<160xi32, #tpu.memory_space<hbm>>
        tpu.enqueue_dma source(%dma_start3A_177 : memref<160xi32, #tpu.memory_space<hbm>>) target(%arg12 : memref<160xi32, #tpu.memory_space<vmem>>) target_semaphore(%arg26 : memref<!tpu.dma_semaphore, #tpu.memory_space<semaphore_mem>>)
        %dma_start3A_178 = tpu.memref_slice %arg5[%add3A_175] : memref<107520xi32, #tpu.memory_space<hbm>> -> memref<160xi32, #tpu.memory_space<hbm>>
        %dma_start3A_179 = tpu.memref_slice %arg5[%add3A_175] : memref<107520xi32, #tpu.memory_space<hbm>> -> memref<160xi32, #tpu.memory_space<hbm>>
        tpu.enqueue_dma source(%dma_start3A_179 : memref<160xi32, #tpu.memory_space<hbm>>) target(%arg13 : memref<160xi32, #tpu.memory_space<vmem>>) target_semaphore(%arg27 : memref<!tpu.dma_semaphore, #tpu.memory_space<semaphore_mem>>)
      } else {
      }
      %add3A_145 = arith.constant 2 : i32
      %add3A_146 = arith.addi %add3A_51, %add3A_145 : i32
      %dma_wait3A_147 = arith.constant 0 : i32
      %dma_wait3A_148 = arith.constant 0 : i32
      %dma_wait3A_149 = tpu.memref_slice %arg2[%dma_wait3A_147, %dma_wait3A_148] : memref<50000x128xf32, #tpu.memory_space<hbm>> -> memref<50000x128xf32, #tpu.memory_space<hbm>>
      tpu.wait_indirect_dma semaphore(%arg34 : memref<!tpu.dma_semaphore, #tpu.memory_space<semaphore_mem>>) src(%dma_wait3A_149 : memref<50000x128xf32, #tpu.memory_space<hbm>>) dst(%arg18 : memref<160x128xf32, #tpu.memory_space<vmem>>)
      %dma_wait3A_150 = arith.constant 0 : i32
      %dma_wait3A_151 = arith.constant 0 : i32
      %dma_wait3A_152 = tpu.memref_slice %arg3[%dma_wait3A_150, %dma_wait3A_151] : memref<50000x128xf32, #tpu.memory_space<hbm>> -> memref<50000x128xf32, #tpu.memory_space<hbm>>
      tpu.wait_indirect_dma semaphore(%arg35 : memref<!tpu.dma_semaphore, #tpu.memory_space<semaphore_mem>>) src(%dma_wait3A_152 : memref<50000x128xf32, #tpu.memory_space<hbm>>) dst(%arg19 : memref<160x128xf32, #tpu.memory_space<vmem>>)
      %mul3A_153 = arith.constant 160 : i32
      %mul3A_154 = arith.muli %add3A_146, %mul3A_153 : i32
      %add3A_155 = arith.addi %mul3A_2, %mul3A_154 : i32
      %dma_start3A_156 = arith.constant 0 : i32
      %dma_start3A_157 = tpu.memref_slice %arg6[%add3A_155, %dma_start3A_156] : memref<107520x128xf32, #tpu.memory_space<hbm>> -> memref<160x128xf32, #tpu.memory_space<hbm>>
      %dma_start3A_158 = arith.constant 0 : i32
      %dma_start3A_159 = tpu.memref_slice %arg6[%add3A_155, %dma_start3A_158] : memref<107520x128xf32, #tpu.memory_space<hbm>> -> memref<160x128xf32, #tpu.memory_space<hbm>>
      tpu.enqueue_dma source(%arg18 : memref<160x128xf32, #tpu.memory_space<vmem>>) target(%dma_start3A_159 : memref<160x128xf32, #tpu.memory_space<hbm>>) target_semaphore(%arg36 : memref<!tpu.dma_semaphore, #tpu.memory_space<semaphore_mem>>)
      %dma_start3A_160 = arith.constant 0 : i32
      %dma_start3A_161 = tpu.memref_slice %arg7[%add3A_155, %dma_start3A_160] : memref<107520x128xf32, #tpu.memory_space<hbm>> -> memref<160x128xf32, #tpu.memory_space<hbm>>
      %dma_start3A_162 = arith.constant 0 : i32
      %dma_start3A_163 = tpu.memref_slice %arg7[%add3A_155, %dma_start3A_162] : memref<107520x128xf32, #tpu.memory_space<hbm>> -> memref<160x128xf32, #tpu.memory_space<hbm>>
      tpu.enqueue_dma source(%arg19 : memref<160x128xf32, #tpu.memory_space<vmem>>) target(%dma_start3A_163 : memref<160x128xf32, #tpu.memory_space<hbm>>) target_semaphore(%arg37 : memref<!tpu.dma_semaphore, #tpu.memory_space<semaphore_mem>>)
      %add3A_164 = arith.constant 3 : i32
      %add3A_165 = arith.addi %add3A_51, %add3A_164 : i32
      %lt3A_166 = arith.constant 21 : i32
      %lt3A_167 = arith.cmpi slt, %add3A_165, %lt3A_166 : i32
      %convert_element_type3A_168 = arith.extui %lt3A_167 : i1 to i32
      %cond3A_169 = arith.constant 0 : i32
      %cond3A_170 = arith.cmpi ne, %convert_element_type3A_168, %cond3A_169 : i32
      scf.if %cond3A_170 {
        %add3A_171 = arith.constant 3 : i32
        %add3A_172 = arith.addi %add3A_146, %add3A_171 : i32
        %mul3A_173 = arith.constant 160 : i32
        %mul3A_174 = arith.muli %add3A_172, %mul3A_173 : i32
        %add3A_175 = arith.addi %mul3A_2, %mul3A_174 : i32
        %dma_start3A_176 = tpu.memref_slice %arg4[%add3A_175] : memref<107520xi32, #tpu.memory_space<hbm>> -> memref<160xi32, #tpu.memory_space<hbm>>
        %dma_start3A_177 = tpu.memref_slice %arg4[%add3A_175] : memref<107520xi32, #tpu.memory_space<hbm>> -> memref<160xi32, #tpu.memory_space<hbm>>
        tpu.enqueue_dma source(%dma_start3A_177 : memref<160xi32, #tpu.memory_space<hbm>>) target(%arg16 : memref<160xi32, #tpu.memory_space<vmem>>) target_semaphore(%arg32 : memref<!tpu.dma_semaphore, #tpu.memory_space<semaphore_mem>>)
        %dma_start3A_178 = tpu.memref_slice %arg5[%add3A_175] : memref<107520xi32, #tpu.memory_space<hbm>> -> memref<160xi32, #tpu.memory_space<hbm>>
        %dma_start3A_179 = tpu.memref_slice %arg5[%add3A_175] : memref<107520xi32, #tpu.memory_space<hbm>> -> memref<160xi32, #tpu.memory_space<hbm>>
        tpu.enqueue_dma source(%dma_start3A_179 : memref<160xi32, #tpu.memory_space<hbm>>) target(%arg17 : memref<160xi32, #tpu.memory_space<vmem>>) target_semaphore(%arg33 : memref<!tpu.dma_semaphore, #tpu.memory_space<semaphore_mem>>)
      } else {
      }
    }
    %scan3A_23 = arith.constant 7 : i32
    %dma_wait3A = arith.constant 0 : i32
    %dma_wait3A_24 = tpu.memref_slice %arg6[%mul3A_2, %dma_wait3A] : memref<107520x128xf32, #tpu.memory_space<hbm>> -> memref<160x128xf32, #tpu.memory_space<hbm>>
    %dma_wait3A_25 = arith.constant 0 : i32
    %dma_wait3A_26 = tpu.memref_slice %arg6[%mul3A_2, %dma_wait3A_25] : memref<107520x128xf32, #tpu.memory_space<hbm>> -> memref<160x128xf32, #tpu.memory_space<hbm>>
    tpu.wait_dma2 semaphore(%arg24 : memref<!tpu.dma_semaphore, #tpu.memory_space<semaphore_mem>>) src(%arg10 : memref<160x128xf32, #tpu.memory_space<vmem>>) dst(%dma_wait3A_26 : memref<160x128xf32, #tpu.memory_space<hbm>>)
    %dma_wait3A_27 = arith.constant 0 : i32
    %dma_wait3A_28 = tpu.memref_slice %arg7[%mul3A_2, %dma_wait3A_27] : memref<107520x128xf32, #tpu.memory_space<hbm>> -> memref<160x128xf32, #tpu.memory_space<hbm>>
    %dma_wait3A_29 = arith.constant 0 : i32
    %dma_wait3A_30 = tpu.memref_slice %arg7[%mul3A_2, %dma_wait3A_29] : memref<107520x128xf32, #tpu.memory_space<hbm>> -> memref<160x128xf32, #tpu.memory_space<hbm>>
    tpu.wait_dma2 semaphore(%arg25 : memref<!tpu.dma_semaphore, #tpu.memory_space<semaphore_mem>>) src(%arg11 : memref<160x128xf32, #tpu.memory_space<vmem>>) dst(%dma_wait3A_30 : memref<160x128xf32, #tpu.memory_space<hbm>>)
    %dma_wait3A_31 = arith.constant 0 : i32
    %dma_wait3A_32 = tpu.memref_slice %arg6[%mul3A_2, %dma_wait3A_31] : memref<107520x128xf32, #tpu.memory_space<hbm>> -> memref<160x128xf32, #tpu.memory_space<hbm>>
    %dma_wait3A_33 = arith.constant 0 : i32
    %dma_wait3A_34 = tpu.memref_slice %arg6[%mul3A_2, %dma_wait3A_33] : memref<107520x128xf32, #tpu.memory_space<hbm>> -> memref<160x128xf32, #tpu.memory_space<hbm>>
    tpu.wait_dma2 semaphore(%arg30 : memref<!tpu.dma_semaphore, #tpu.memory_space<semaphore_mem>>) src(%arg14 : memref<160x128xf32, #tpu.memory_space<vmem>>) dst(%dma_wait3A_34 : memref<160x128xf32, #tpu.memory_space<hbm>>)
    %dma_wait3A_35 = arith.constant 0 : i32
    %dma_wait3A_36 = tpu.memref_slice %arg7[%mul3A_2, %dma_wait3A_35] : memref<107520x128xf32, #tpu.memory_space<hbm>> -> memref<160x128xf32, #tpu.memory_space<hbm>>
    %dma_wait3A_37 = arith.constant 0 : i32
    %dma_wait3A_38 = tpu.memref_slice %arg7[%mul3A_2, %dma_wait3A_37] : memref<107520x128xf32, #tpu.memory_space<hbm>> -> memref<160x128xf32, #tpu.memory_space<hbm>>
    tpu.wait_dma2 semaphore(%arg31 : memref<!tpu.dma_semaphore, #tpu.memory_space<semaphore_mem>>) src(%arg15 : memref<160x128xf32, #tpu.memory_space<vmem>>) dst(%dma_wait3A_38 : memref<160x128xf32, #tpu.memory_space<hbm>>)
    %dma_wait3A_39 = arith.constant 0 : i32
    %dma_wait3A_40 = tpu.memref_slice %arg6[%mul3A_2, %dma_wait3A_39] : memref<107520x128xf32, #tpu.memory_space<hbm>> -> memref<160x128xf32, #tpu.memory_space<hbm>>
    %dma_wait3A_41 = arith.constant 0 : i32
    %dma_wait3A_42 = tpu.memref_slice %arg6[%mul3A_2, %dma_wait3A_41] : memref<107520x128xf32, #tpu.memory_space<hbm>> -> memref<160x128xf32, #tpu.memory_space<hbm>>
    tpu.wait_dma2 semaphore(%arg36 : memref<!tpu.dma_semaphore, #tpu.memory_space<semaphore_mem>>) src(%arg18 : memref<160x128xf32, #tpu.memory_space<vmem>>) dst(%dma_wait3A_42 : memref<160x128xf32, #tpu.memory_space<hbm>>)
    %dma_wait3A_43 = arith.constant 0 : i32
    %dma_wait3A_44 = tpu.memref_slice %arg7[%mul3A_2, %dma_wait3A_43] : memref<107520x128xf32, #tpu.memory_space<hbm>> -> memref<160x128xf32, #tpu.memory_space<hbm>>
    %dma_wait3A_45 = arith.constant 0 : i32
    %dma_wait3A_46 = tpu.memref_slice %arg7[%mul3A_2, %dma_wait3A_45] : memref<107520x128xf32, #tpu.memory_space<hbm>> -> memref<160x128xf32, #tpu.memory_space<hbm>>
    tpu.wait_dma2 semaphore(%arg37 : memref<!tpu.dma_semaphore, #tpu.memory_space<semaphore_mem>>) src(%arg19 : memref<160x128xf32, #tpu.memory_space<vmem>>) dst(%dma_wait3A_46 : memref<160x128xf32, #tpu.memory_space<hbm>>)
    return
  }
}

module attributes {stable_mosaic.version = 14 : i64} {
  func.func @body(%arg0: i32, %arg1: memref<2000x128xf32, #tpu.memory_space<vmem>>, %arg2: memref<2000x128xf32, #tpu.memory_space<vmem>>, %arg3: memref<2000x128xf32, #tpu.memory_space<vmem>>, %arg4: memref<128x128xf32, #tpu.memory_space<vmem>>, %arg5: memref<128x128xf32, #tpu.memory_space<vmem>>, %arg6: memref<128x128xf32, #tpu.memory_space<vmem>>, %arg7: memref<2000x128xf32, #tpu.memory_space<vmem>>) attributes {dimension_semantics = [#tpu.dimension_semantics<arbitrary>], iteration_bounds = array<i64: 50>, scalar_prefetch = 0 : i64, scratch_operands = 0 : i64, tpu.core_type = #tpu.core_type<tc>, window_params = [{transform_indices = @transform_0, window_bounds = array<i64: 2000, 128>}, {transform_indices = @transform_1, window_bounds = array<i64: 2000, 128>}, {transform_indices = @transform_2, window_bounds = array<i64: 2000, 128>}, {pipeline_mode = #tpu.pipeline_mode<synchronous>, transform_indices = @transform_3, window_bounds = array<i64: 128, 128>}, {pipeline_mode = #tpu.pipeline_mode<synchronous>, transform_indices = @transform_4, window_bounds = array<i64: 128, 128>}, {pipeline_mode = #tpu.pipeline_mode<synchronous>, transform_indices = @transform_5, window_bounds = array<i64: 128, 128>}, {transform_indices = @transform_6, window_bounds = array<i64: 2000, 128>}]} {
    %get3A = arith.constant 0 : index
    %get3A_0 = arith.constant 0 : index
    %get3A_1 = vector.load %arg1[%get3A, %get3A_0] : memref<2000x128xf32, #tpu.memory_space<vmem>>, vector<2000x128xf32>
    %convert_element_type3A = arith.truncf %get3A_1 : vector<2000x128xf32> to vector<2000x128xbf16>
    %get3A_2 = arith.constant 0 : index
    %get3A_3 = arith.constant 0 : index
    %get3A_4 = vector.load %arg4[%get3A_2, %get3A_3] : memref<128x128xf32, #tpu.memory_space<vmem>>, vector<128x128xf32>
    %convert_element_type3A_5 = arith.truncf %get3A_4 : vector<128x128xf32> to vector<128x128xbf16>
    %dot_general3A = arith.constant dense<0.000000e+00> : vector<2000x128xf32>
    %dot_general3A_6 = tpu.matmul %convert_element_type3A, %convert_element_type3A_5, %dot_general3A {dimension_numbers = #tpu.dot_dimension_numbers<[1], [0], [0], [1], [0, 0, 1, 1], [], []>, transpose_lhs_hint = false} : vector<2000x128xbf16>, vector<128x128xbf16>, vector<2000x128xf32> -> vector<2000x128xf32>
    %get3A_7 = arith.constant 0 : index
    %get3A_8 = arith.constant 0 : index
    %get3A_9 = vector.load %arg2[%get3A_7, %get3A_8] : memref<2000x128xf32, #tpu.memory_space<vmem>>, vector<2000x128xf32>
    %convert_element_type3A_10 = arith.truncf %get3A_9 : vector<2000x128xf32> to vector<2000x128xbf16>
    %get3A_11 = arith.constant 0 : index
    %get3A_12 = arith.constant 0 : index
    %get3A_13 = vector.load %arg5[%get3A_11, %get3A_12] : memref<128x128xf32, #tpu.memory_space<vmem>>, vector<128x128xf32>
    %convert_element_type3A_14 = arith.truncf %get3A_13 : vector<128x128xf32> to vector<128x128xbf16>
    %dot_general3A_15 = arith.constant dense<0.000000e+00> : vector<2000x128xf32>
    %dot_general3A_16 = tpu.matmul %convert_element_type3A_10, %convert_element_type3A_14, %dot_general3A_15 {dimension_numbers = #tpu.dot_dimension_numbers<[1], [0], [0], [1], [0, 0, 1, 1], [], []>, transpose_lhs_hint = false} : vector<2000x128xbf16>, vector<128x128xbf16>, vector<2000x128xf32> -> vector<2000x128xf32>
    %add3A = arith.addf %dot_general3A_6, %dot_general3A_16 : vector<2000x128xf32>
    %get3A_17 = arith.constant 0 : index
    %get3A_18 = arith.constant 0 : index
    %get3A_19 = vector.load %arg3[%get3A_17, %get3A_18] : memref<2000x128xf32, #tpu.memory_space<vmem>>, vector<2000x128xf32>
    %convert_element_type3A_20 = arith.truncf %get3A_19 : vector<2000x128xf32> to vector<2000x128xbf16>
    %get3A_21 = arith.constant 0 : index
    %get3A_22 = arith.constant 0 : index
    %get3A_23 = vector.load %arg6[%get3A_21, %get3A_22] : memref<128x128xf32, #tpu.memory_space<vmem>>, vector<128x128xf32>
    %convert_element_type3A_24 = arith.truncf %get3A_23 : vector<128x128xf32> to vector<128x128xbf16>
    %dot_general3A_25 = arith.constant dense<0.000000e+00> : vector<2000x128xf32>
    %dot_general3A_26 = tpu.matmul %convert_element_type3A_20, %convert_element_type3A_24, %dot_general3A_25 {dimension_numbers = #tpu.dot_dimension_numbers<[1], [0], [0], [1], [0, 0, 1, 1], [], []>, transpose_lhs_hint = false} : vector<2000x128xbf16>, vector<128x128xbf16>, vector<2000x128xf32> -> vector<2000x128xf32>
    %add3A_27 = arith.addf %add3A, %dot_general3A_26 : vector<2000x128xf32>
    %max3A = arith.constant 0.000000e+00 : f32
    %max3A_28 = vector.broadcast %max3A : f32 to vector<2000x128xf32>
    %max3A_29 = arith.maximumf %add3A_27, %max3A_28 : vector<2000x128xf32>
    %swap3A = arith.constant 0 : index
    %swap3A_30 = arith.constant 0 : index
    %swap3A_31 = vector.load %arg7[%swap3A, %swap3A_30] : memref<2000x128xf32, #tpu.memory_space<vmem>>, vector<2000x128xf32>
    tpu.vector_store %arg7[%swap3A, %swap3A_30], %max3A_29 {strides = array<i32>} : memref<2000x128xf32, #tpu.memory_space<vmem>>, vector<2000x128xf32>,
    return
  }
  func.func @transform_0(%arg0: i32) -> (i32, i32) {
    %c0_i32 = arith.constant 0 : i32
    %c0_i32_0 = arith.constant 0 : i32
    return %arg0, %c0_i32 : i32, i32
  }
  func.func @transform_1(%arg0: i32) -> (i32, i32) {
    %c0_i32 = arith.constant 0 : i32
    %c0_i32_0 = arith.constant 0 : i32
    return %arg0, %c0_i32 : i32, i32
  }
  func.func @transform_2(%arg0: i32) -> (i32, i32) {
    %c0_i32 = arith.constant 0 : i32
    %c0_i32_0 = arith.constant 0 : i32
    return %arg0, %c0_i32 : i32, i32
  }
  func.func @transform_3(%arg0: i32) -> (i32, i32) {
    %c0_i32 = arith.constant 0 : i32
    %c0_i32_0 = arith.constant 0 : i32
    %c0_i32_1 = arith.constant 0 : i32
    return %c0_i32, %c0_i32_0 : i32, i32
  }
  func.func @transform_4(%arg0: i32) -> (i32, i32) {
    %c0_i32 = arith.constant 0 : i32
    %c0_i32_0 = arith.constant 0 : i32
    %c0_i32_1 = arith.constant 0 : i32
    return %c0_i32, %c0_i32_0 : i32, i32
  }
  func.func @transform_5(%arg0: i32) -> (i32, i32) {
    %c0_i32 = arith.constant 0 : i32
    %c0_i32_0 = arith.constant 0 : i32
    %c0_i32_1 = arith.constant 0 : i32
    return %c0_i32, %c0_i32_0 : i32, i32
  }
  func.func @transform_6(%arg0: i32) -> (i32, i32) {
    %c0_i32 = arith.constant 0 : i32
    %c0_i32_0 = arith.constant 0 : i32
    return %arg0, %c0_i32 : i32, i32
  }
}

</mosaic_0001>

<sc_bundles>
// kernel: kernel.4.cloned.1.call-start
scs
__scs_entry_jumppad:
0x0: {  	(pc) =	sbr.rel $0x88, $3  }
0x1: {  	(tag) =	ssettag $0x0;
	lr =	simm.s32 $0x1  }
0x2: {  	[smem:$0x3F9B] =	sst lr;
	_ =	strace $0xD0000000  }
0x3: {  	_ = 	snop  }
0x4: {  	_ = 	snop  }
0x5: {  	_ = 	snop  }
0x6: {  	_ = 	snop  }
0x7: {  	_ = 	snop  }
__scs_overlays_trampoline_lowered:
0x8: {  	[smem:$0x3FAA] =	sst s0  }
0x9: {  	[smem:$0x3FAB] =	sst s1  }
0xa: {  	[smem:$0x3FAC] =	sst s2  }
0xb: {  	[smem:$0x3FAD] =	sst s3  }
0xc: {  	[smem:$0x3FAE] =	sst s4  }
0xd: {  	[smem:$0x3FAF] =	sst s5  }
0xe: {  	[smem:$0x3FB0] =	sst s6  }
0xf: {  	[smem:$0x3FB1] =	sst s7  }
0x10: {  	[smem:$0x3FB2] =	sst s8  }
0x11: {  	[smem:$0x3FB3] =	sst s9;
	s0 =	simm.s32 @!p0 $0x0  }
0x12: {  	s1 =	sld [smem:$0x3F99];
	s0 =	simm.s32 @p0 $0x1  }
0x13: {  	[smem:$0x3FB4] =	sst s0;
	s0 =	simm.s32 @!p1 $0x0  }
0x14: {  	s2 =	sld [smem:$0x3F98];
	s0 =	simm.s32 @p1 $0x1  }
0x15: {  	[smem:$0x3FB5] =	sst s0;
	s0 =	simm.s32 @!p2 $0x0  }
0x16: {  	s3 =	sld [smem:$0x3FDB];
	s0 =	simm.s32 @p2 $0x1  }
0x17: {  	s4 =	simm.s32 $0x1BF5;
	[smem:$0x3FB7] =	sst s0  }
0x18: {  	s0 =	sld [smem:$0x3F9A];
	_ =	swait.ge [sflag:s4], $0x0  }
0x19: {  	s7 =	sld [smem:$0x3F9B]  }
0x1a: {  	s8 =	sadd.s32 $0xFFFFE003, lr  }
0x1b: {  	s9 =	sadd.s32 $0xFFFFFEF7, lr;
	s5 =	simm.s32 $0xFFFFFFFF;
	p2 =	slt.u32 s8, $0xFFFFF086  }
0x1c: {  	p1 =	slt.u32 s9, $0xF7A;
	s5 =	simm.s32 @!p2 $0x0  }
0x1d: {  	s5 =	simm.s32 @p1 $0x1;
	p0 =	seq.s32 s7, s2  }
0x1e: {  	s7 =	smul.u32 @!p0 $0xF7A, s2;
	p2 =	seq.s32 @!p0 s5, $0x0  }
0x1f: {  	s9 =	smul.u32 $0xF7A, s1;
	s8 =	simm.s32 @!p0 $0x1BF5;
	p2 =	por !p2, p0  }
0x20: {  	[sflag:s8] =	ssyncset.s32 @!p0 $0xFFFFF086;
	s6 =	sadd.s32 @!p0 s3, s7;
	s7 =	simm.s32 @!p0 $0x108  }
0x21: {  	s3 =	sadd.s32 s3, s9;
	s6 =	sadd.s32 @!p0 $0x88, s6;
	s7 =	simm.s32 @p2 $0x1082  }
0x22: {  	[simem:s7], [sflag:s8] =	dma.local @!p0 [hbm:s6], $0xF7A  }
0x23: {  	s9 =	sor.u32 $0xD0000000, s2;
	s6 =	simm.s32 $0x108;
	_ =	swait.ge @!p0 [sflag:s8], $0x0  }
0x24: {  	s3 =	sadd.s32 $0x88, s3;
	s6 =	simm.s32 @!p1 $0x1082;
	[sflag:s4] =	ssyncset.s32 $0xFFFFF086  }
0x25: {  	[simem:s6], [sflag:s4] =	dma.local [hbm:s3], $0xF7A  }
0x26: {  	[smem:$0x3F9B] =	sst s1;
	(tag) =	ssettag s2;
	_ =	strace s9  }
0x27: {  	s1 =	sld [smem:$0x3FAB]  }
0x28: {  	s2 =	sld [smem:$0x3FAC]  }
0x29: {  	s4 =	sld [smem:$0x3FAE]  }
0x2a: {  	p0 =	seq.s32 s5, $0x0;
	s5 =	sld [smem:$0x3FAF]  }
0x2b: {  	s6 =	sld [smem:$0x3FB0]  }
0x2c: {  	s7 =	sld [smem:$0x3FB1]  }
0x2d: {  	s3 =	simm.s32 $0x108;
	s8 =	sld [smem:$0x3FB2]  }
0x2e: {  	s3 =	simm.s32 @!p0 $0x1082;
	s9 =	sld [smem:$0x3FB3]  }
0x2f: {  	lr =	sadd.s32 s0, s3;
	s0 =	sld [smem:$0x3FAA]  }
0x30: {  	s3 =	sld [smem:$0x3FAD]  }
0x31: {  	[smem:$0x3FB6] =	sst s10  }
0x32: {  	s10 =	sld [smem:$0x3FB4];
	_ =	sdelay $0x3  }
0x33: {  	p0 =	seq.s32 s10, $0x1;
	s10 =	sld [smem:$0x3FB6];
	_ =	sdelay $0x3  }
0x34: {  	[smem:$0x3FB6] =	sst s10  }
0x35: {  	s10 =	sld [smem:$0x3FB5];
	_ =	sdelay $0x3  }
0x36: {  	p1 =	seq.s32 s10, $0x1;
	s10 =	sld [smem:$0x3FB6];
	_ =	sdelay $0x3  }
0x37: {  	[smem:$0x3FB6] =	sst s10  }
0x38: {  	s10 =	sld [smem:$0x3FB7]  }
0x39: {  	_ = 	snop;
	(pc) =	sbr.ind lr, $3  }
0x3a: {  	_ = 	snop  }
0x3b: {  	_ = 	snop  }
0x3c: {  	p2 =	seq.s32 s10, $0x1;
	s10 =	sld [smem:$0x3FB6]  }
0x3d: {  	_ =	shalt  }
0x3e: {  	_ =	shalt  }
0x3f: {  	_ =	shalt  }
0x40: {  	_ =	shalt  }
0x41: {  	_ =	shalt  }
0x42: {  	_ =	shalt  }
0x43: {  	_ =	shalt  }
0x44: {  	_ =	shalt  }
0x45: {  	_ =	shalt  }
0x46: {  	_ =	shalt  }
0x47: {  	_ =	shalt  }
0x48: {  	_ =	shalt  }
0x49: {  	_ =	shalt  }
0x4a: {  	_ =	shalt  }
0x4b: {  	_ =	shalt  }
0x4c: {  	_ =	shalt  }
0x4d: {  	_ =	shalt  }
0x4e: {  	_ =	shalt  }
0x4f: {  	_ =	shalt  }
0x50: {  	_ =	shalt  }
0x51: {  	_ =	shalt  }
0x52: {  	_ =	shalt  }
0x53: {  	_ =	shalt  }
0x54: {  	_ =	shalt  }
0x55: {  	_ =	shalt  }
0x56: {  	_ =	shalt  }
0x57: {  	_ =	shalt  }
0x58: {  	_ =	shalt  }
0x59: {  	_ =	shalt  }
0x5a: {  	_ =	shalt  }
0x5b: {  	_ =	shalt  }
0x5c: {  	_ =	shalt  }
0x5d: {  	_ =	shalt  }
0x5e: {  	_ =	shalt  }
0x5f: {  	_ =	shalt  }
0x60: {  	_ =	shalt  }
0x61: {  	_ =	shalt  }
0x62: {  	_ =	shalt  }
0x63: {  	_ =	shalt  }
0x64: {  	_ =	shalt  }
0x65: {  	_ =	shalt  }
0x66: {  	_ =	shalt  }
0x67: {  	_ =	shalt  }
0x68: {  	_ =	shalt  }
0x69: {  	_ =	shalt  }
0x6a: {  	_ =	shalt  }
0x6b: {  	_ =	shalt  }
0x6c: {  	_ =	shalt  }
0x6d: {  	_ =	shalt  }
0x6e: {  	_ =	shalt  }
0x6f: {  	_ =	shalt  }
0x70: {  	_ =	shalt  }
0x71: {  	_ =	shalt  }
0x72: {  	_ =	shalt  }
0x73: {  	_ =	shalt  }
0x74: {  	_ =	shalt  }
0x75: {  	_ =	shalt  }
0x76: {  	_ =	shalt  }
0x77: {  	_ =	shalt  }
0x78: {  	_ =	shalt  }
0x79: {  	_ =	shalt  }
0x7a: {  	_ =	shalt  }
0x7b: {  	_ =	shalt  }
0x7c: {  	_ =	shalt  }
0x7d: {  	_ =	shalt  }
0x7e: {  	_ =	shalt  }
0x7f: {  	_ =	shalt  }
0x80: {  	_ =	shalt  }
0x81: {  	_ =	shalt  }
0x82: {  	_ =	shalt  }
0x83: {  	_ =	shalt  }
0x84: {  	_ =	shalt  }
0x85: {  	_ =	shalt  }
0x86: {  	_ =	shalt  }
0x87: {  	_ =	shalt  }
.Lfunc_end0:
.L_simem_size_0:
called_computation_lowered:
.L_overlay_start_0:
0x88: {  	s2 =	sld [smem:$0x3FD9]  }
0x89: {  	s3 =	sld [smem:$0x3FFE];
	_ =	sdelay $0x1  }
0x8a: {  	s1 =	srdreg.scid  }
0x8b: {  	s0 =	sand.u32 $0x1, s1  }
0x8c: {  	s17 =	sshll.u32 s0, $0xA;
	s2 =	sadd.s32 s3, s2  }
0x8d: {  	s2 =	sadd.s32 s2, s17  }
0x8e: {  	[smem:$0x3FC2] =	sst s2  }
0x8f: {  	_ = 	snop  }
0x90: {  	s2 =	sld [smem:$0x3FC8]  }
0x91: {  	s18 =	sld [smem:$0x3FC7]  }
0x92: {  	s4 =	sld [smem:$0x3FD0];
	(tm) =	ssettm $0x1  }
0x93: {  	s5 =	sld [smem:$0x3FFB];
	_ =	sdelay $0x3  }
0x94: {  	_ =	strace s5  }
0x95: {  	s5 =	sld [smem:$0x3FFC];
	_ =	sdelay $0x3  }
0x96: {  	_ =	strace s5  }
0x97: {  	s5 =	sld [smem:$0x3FFD];
	_ =	sdelay $0x3  }
0x98: {  	_ =	strace s5  }
0x99: {  	_ =	strace $0x8FFFFFFF  }
0x9a: {  	s19 =	sld [smem:$0x3FDB];
	_ =	sdelay $0x1  }
0x9b: {  	s6 =	simm.s32 $_scs_section_size  }
0x9c: {  	s7 =	simm.s32 $_size__tile_overlayer_lowered;
	s8 =	simm.s32 $_tile_overlayer_lowered  }
0x9d: {  	s22 =	simm.s32 $0x1BFF;
	s21 =	sshll.u32 s8, $0x1;
	s5 =	sadd.s32 s6, s19  }
0x9e: {  	s9 =	simm.s32 $0x0;
	s20 =	sshll.u32 s7, $0x1;
	s7 =	sadd.s32 s21, s5  }
0x9f: {  	[timem:s9], [sflag:s22] =	dma.local [hbm:s7], s20  }
0xa0: {  	_ =	swait.ge [sflag:s22], s20  }
0xa1: {  	s6 =	ssub.s32 $0x0, s20;
	[sflag:s22] =	ssyncset.done $0x0  }
0xa2: {  	[sflag:s22] =	ssyncadd.s32 s6;
	_ =	sdelay $0x1  }
0xa3: {  	s23 =	simm.s32 $0x1B8B  }
0xa4: {  	_ =	swait.ge [sflag:s23], $0x1  }
0xa5: {  	[sflag:s23] =	ssyncset.done $0x0  }
0xa6: {  	s25 =	simm.s32 $0x1B8E;
	s24 =	sld [smem:$0x3FFE];
	[sflag:s23] =	ssyncadd.s32 $0xFFFFFFFF  }
0xa7: {  	s26 =	simm.s32 $execute0_lowered;
	[smem:$0x3FD2] =	sst s25  }
0xa8: {  	s7 =	sshll.u32 s26, $0x1;
	_ =	strace $0x80000046;
	[dreg:$0x1] =	wrdreg $0xFFFFFFFF  }
0xa9: {  	s28 =	simm.s32 $_size_execute0_lowered;
	s5 =	sadd.s32 s5, s7;
	[dreg:$0x0] =	wrdreg $0x0  }
0xaa: {  	s7 =	sshll.u32 s28, $0x1;
	[dreg:$0x2] =	wrdreg s5  }
0xab: {  	[dreg:$0x3] =	wrdreg s7  }
0xac: {  	[dreg:$0x4] =	wrdreg $0xC0  }
0xad: {  	_ =	task [dreg:s9], $0x5FFFF  }
0xae: {  	[dreg:$0x1] =	wrdreg $0xFFFFFFFF  }
0xaf: {  	[dreg:$0x0] =	wrdreg $0x60  }
0xb0: {  	[dreg:$0x2] =	wrdreg s2  }
0xb1: {  	[dreg:$0x3] =	wrdreg s18  }
0xb2: {  	[dreg:$0x4] =	wrdreg s24  }
0xb3: {  	[dreg:$0x5] =	wrdreg s4  }
0xb4: {  	[dreg:$0x6] =	wrdreg $0x9  }
0xb5: {  	_ =	task.clear_ibuf [dreg:s9], $0x7FFFF;
	_ =	strace $0x90000046  }
0xb6: {  	s29 =	simm.s32 $0x9;
	_ =	strace $0x80000048  }
0xb7: {  	_ =	swait.ge [sflag:s29], $0x1  }
0xb8: {  	[sflag:s29] =	ssyncadd.s32 $0xFFFFFFFF  }
0xb9: {  	_ =	strace $0x90000048  }
0xba: {  	_ =	sfence  }
0xbb: {  	s30 =	sld [smem:$0x0];
	_ =	sdelay $0x2  }
0xbc: {  	s31 =	sshll.u32 s1, $0xD;
	s1 =	sshrl.u32 s1, $0x2  }
0xbd: {  	s3 =	sand.u32 $0x4000, s31;
	s1 =	sadd.s32 s1, s30  }
0xbe: {  	s0 =	sor.u32 s3, s0;
	s1 =	sshll.u32 s1, $0x11  }
0xbf: {  	s0 =	sor.u32 s1, s0  }
0xc0: {  	s0 =	sadd.s32 $0x8F2B, s0  }
0xc1: {  	[sflag:s0] =	ssyncadd.remote.s32 $0x1  }
0xc2: {  	_ =	sfence.sel $0xFFFF  }
0xc3: {  	[dreg:$0x0] =	wrdreg $0xFFFFFFFF;
	(pc) =	sbr.abs _section_cstart, $3  }
0xc4: {  	[dreg:$0x1] =	wrdreg $0xFFFFFFFF  }
0xc5: {  	_ =	task.clear_ibuf [dreg:s9], $0x2FFFF;
	_ =	strace $0x9FFFFFFF  }
0xc6: {  	(tm) =	ssettm $0x7FFFFFFF  }
0xc7: {  	_ =	shalt  }
tec
execute0_lowered:
.L_overlay_start_1:
0x0: {  	(tag) =	ssettag $0x1  }
0x1: {  	s2 =	rddreg [dreg:$0x0]  }
0x2: {  	s3 =	rddreg [dreg:$0x1]  }
0x3: {  	s10 =	rddreg [dreg:$0x2]  }
0x4: {  	s11 =	rddreg [dreg:$0x3];
	s8 =	stileid.u32  }
0x5: {  	s0 =	srdreg.scid;
	s6 =	simm.s32 $0x0;
	s28 =	simm.s32 $0x14600  }
0x6: {  	s29 =	simm.s32 $0x19600;
	s30 =	simm.s32 $0x3;
	s4 =	smul.u32 $0x1A400, s8  }
0x7: {  	s0 =	sand.u32 $0x1, s0;
	s1 =	sshll.u32 s8, $0x1;
	s8 =	smul.u32 $0x1A40, s8  }
0x8: {  	s31 =	simm.s32 $0x4;
	[smem:$0x7FF] =	sst s6;
	s21 =	smul.u32 $0xD20, s0  }
0x9: {  	s1 =	sor.u32 s0, s1;
	s5 =	ssub.s32 $0x2, s0;
	s0 =	smul.u32 $0xD200, s0  }
0xa: {  	_ =	strace $0x80000047;
	s1 =	smul.u32 $0xD20, s1;
	s7 =	sshrl.u32 s5, $0x1  }
0xb: {  	s4 =	sadd.s32 s4, s10;
	s5 =	ssub.s32 s5, s7;
	s23 =	sadd.s32 s21, s8  }
0xc: {  	s0 =	sadd.s32 s0, s4;
	s21 =	simm.s32 $0xA400;
	s8 =	simm.s32 $0xF  }
0xd: {  	s4 =	simm.s32 $0x0;
	s1 =	sshrl.u32 s1, $0x3;
	s5 =	smax.u32 s5, $0x1  }
0xe: {  	s24 =	sadd.s32 $0x320, s23;
	s15 =	sadd.s32 $0x3600, s0;
	s25 =	sadd.s32 $0x280, s23  }
0xf: {  	s16 =	sadd.s32 $0x1A7600, s0;
	s26 =	sadd.s32 $0x1E0, s23;
	s23 =	simm.s32 $0x14500  }
0x10: {  	s18 =	sadd.s32 s10, s1;
	s19 =	sadd.s32 $0x14, s1;
	[dreg:$0xb] =	wrdreg s5  }
0x11: {  	s9 =	sadd.s32 s11, s1;
	s1 =	sadd.s32 $0x28, s1;
	[dreg:$0xc] =	wrdreg s26  }
0x12: {  	s14 =	sshrl.u32 s24, $0x3;
	s17 =	sshrl.u32 s25, $0x3;
	[dreg:$0x5] =	wrdreg s18  }
0x13: {  	s24 =	simm.s32 $0xD;
	[dreg:$0x6] =	wrdreg s9;
	s20 =	sadd.s32 s10, s19  }
.Ltmp0:
0x14: {  	s7 =	sadd.s32 s11, s19;
	[dreg:$0x7] =	wrdreg s20;
	(pc) =	sbr.rel .LBB2_1-.Ltmp0, $4  }
0x15: {  	s25 =	simm.s32 $0xE;
	s22 =	sadd.s32 s10, s1;
	[dreg:$0x8] =	wrdreg s7  }
0x16: {  	s26 =	simm.s32 $0xA0;
	s1 =	sadd.s32 s11, s1;
	[dreg:$0x9] =	wrdreg s22  }
0x17: {  	s19 =	simm.s32 $0x9;
	s9 =	simm.s32 $0x10;
	[dreg:$0xa] =	wrdreg s1  }
0x18: {  	s22 =	simm.s32 $0x14400;
	s20 =	simm.s32 $0xA;
	s7 =	simm.s32 $0xF400  }
.LBB2_4:
0x19: {  	s0 =	simm.s32 $0x5  }
0x1a: {  	_ =	swait.ge [sflag:s0], $0x5000  }
0x1b: {  	[sflag:s0] =	ssyncset.done $0x0  }
0x1c: {  	s10 =	simm.s32 $0x6;
	[sflag:s0] =	ssyncadd.s32 $0xFFFFB000  }
0x1d: {  	_ =	swait.ge [sflag:s10], $0x5000  }
0x1e: {  	[sflag:s10] =	ssyncset.done $0x0  }
0x1f: {  	s11 =	simm.s32 $0xB;
	[sflag:s10] =	ssyncadd.s32 $0xFFFFB000  }
0x20: {  	_ =	swait.ge [sflag:s11], $0x5000  }
0x21: {  	[sflag:s11] =	ssyncset.done $0x0  }
0x22: {  	s12 =	simm.s32 $0xC;
	[sflag:s11] =	ssyncadd.s32 $0xFFFFB000  }
0x23: {  	_ =	swait.ge [sflag:s12], $0x5000  }
0x24: {  	[sflag:s12] =	ssyncset.done $0x0  }
0x25: {  	s13 =	simm.s32 $0x11;
	[sflag:s12] =	ssyncadd.s32 $0xFFFFB000  }
0x26: {  	_ =	swait.ge [sflag:s13], $0x5000  }
0x27: {  	[sflag:s13] =	ssyncset.done $0x0  }
0x28: {  	s1 =	simm.s32 $0x12;
	[sflag:s13] =	ssyncadd.s32 $0xFFFFB000  }
0x29: {  	_ =	swait.ge [sflag:s1], $0x5000  }
0x2a: {  	s4 =	rddreg [dreg:$0xd]  }
0x2b: {  	s18 =	rddreg [dreg:$0xb];
	s4 =	sadd.s32 $0x1, s4  }
0x2c: {  	p0 =	sne.s32 s4, s18  }
.Ltmp1:
0x2d: {  	_ = 	snop;
	(pc) =	sbr.rel @!p0 .LBB2_5-.Ltmp1, $3  }
0x2e: {  	_ =	sdelay $0x1  }
0x2f: {  	[sflag:s1] =	ssyncset.done $0x0  }
0x30: {  	[sflag:s1] =	ssyncadd.s32 $0xFFFFB000  }
.LBB2_1:
0x31: {  	[dreg:$0xd] =	wrdreg s4  }
0x32: {  	s0 =	rddreg [dreg:$0x5]  }
0x33: {  	s4 =	rddreg [dreg:$0x6]  }
0x34: {  	s5 =	rddreg [dreg:$0x7]  }
0x35: {  	s11 =	rddreg [dreg:$0x8]  }
0x36: {  	[tilespmem:s6], [sflag:$0x1] =	stream.linear.gather [hbm4b:s0+s6], $0xA0, $0x38;
	[tilespmem:$0x1E600] =	vst v63  }
0x37: {  	s1 =	simm.s32 $0x100;
	s13 =	rddreg [dreg:$0x9]  }
0x38: {  	[tilespmem:s1], [sflag:$0x2] =	stream.linear.gather [hbm4b:s4+s6], $0xA0, $0x38;
	[tilespmem:$0x1E600] =	vst v63  }
0x39: {  	s10 =	simm.s32 $0xA200;
	s18 =	rddreg [dreg:$0xa]  }
0x3a: {  	[tilespmem:s10], [sflag:$0x7] =	stream.linear.gather [hbm4b:s5+s6], $0xA0, $0x38;
	[tilespmem:$0x1E600] =	vst v63  }
0x3b: {  	s12 =	simm.s32 $0xA300;
	s4 =	rddreg [dreg:$0x2]  }
0x3c: {  	[tilespmem:s12], [sflag:$0x8] =	stream.linear.gather [hbm4b:s11+s6], $0xA0, $0x38;
	[tilespmem:$0x1E600] =	vst v63  }
0x3d: {  	s5 =	rddreg [dreg:$0x3]  }
0x3e: {  	[tilespmem:s22], [sflag:$0xD] =	stream.linear.gather [hbm4b:s13+s6], $0xA0, $0x38;
	[tilespmem:$0x1E600] =	vst v63  }
0x3f: {  	s12 =	rddreg [dreg:$0xc];
	s13 =	simm.s32 $0x0  }
0x40: {  	[tilespmem:s23], [sflag:$0xE] =	stream.linear.gather [hbm4b:s18+s6], $0xA0, $0x38;
	[tilespmem:$0x1E600] =	vst v63  }
.LBB2_2:
0x41: {  	p0 =	seq.s32 s13, $0x0  }
0x42: {  	s11 =	simm.s32 @p0 $0x1  }
0x43: {  	_ =	swait.ge @p0 [sflag:s11], $0xA0  }
0x44: {  	[sflag:s11] =	ssyncset.done @p0 $0x0  }
0x45: {  	[sflag:s11] =	ssyncadd.s32 @p0 $0xFFFFFF60;
	s11 =	simm.s32 @p0 $0x2  }
0x46: {  	_ =	swait.ge @p0 [sflag:s11], $0xA0  }
0x47: {  	s18 =	simm.s32 @p0 $0x0;
	[sflag:s11] =	ssyncset.done @p0 $0x0  }
0x48: {  	s10 =	simm.s32 @p0 $0x200;
	[sflag:s11] =	ssyncadd.s32 @p0 $0xFFFFFF60;
	s11 =	simm.s32 @p0 $0xA0  }
0x49: {  	[tilespmem:s10], [sflag:$0x3] =	stream.indirect.gather @p0 [hbm4b:s2+s11], $0x80, s18, s11, $0xb8;
	[tilespmem:$0x1E600] =	vst v63  }
0x4a: {  	s10 =	simm.s32 @p0 $0x100;
	s18 =	simm.s32 @p0 $0x5200  }
0x4b: {  	[tilespmem:s18], [sflag:$0x4] =	stream.indirect.gather @p0 [hbm4b:s3+s11], $0x80, s10, s11, $0xb8;
	[tilespmem:$0x1E600] =	vst v63  }
0x4c: {  	s10 =	simm.s32 @p0 $0x7  }
0x4d: {  	_ =	swait.ge @p0 [sflag:s10], $0xA0  }
0x4e: {  	[sflag:s10] =	ssyncset.done @p0 $0x0  }
0x4f: {  	[sflag:s10] =	ssyncadd.s32 @p0 $0xFFFFFF60;
	s10 =	simm.s32 @p0 $0x8  }
0x50: {  	_ =	swait.ge @p0 [sflag:s10], $0xA0  }
0x51: {  	[sflag:s10] =	ssyncset.done @p0 $0x0  }
0x52: {  	s18 =	simm.s32 @p0 $0xA400;
	[sflag:s10] =	ssyncadd.s32 @p0 $0xFFFFFF60;
	s10 =	simm.s32 @p0 $0xA200  }
0x53: {  	[tilespmem:s18], [sflag:$0x9] =	stream.indirect.gather @p0 [hbm4b:s2+s11], $0x80, s10, s11, $0xb8;
	[tilespmem:$0x1E600] =	vst v63  }
0x54: {  	s10 =	simm.s32 @p0 $0xA300;
	s18 =	simm.s32 @p0 $0xF400  }
0x55: {  	[tilespmem:s18], [sflag:$0xA] =	stream.indirect.gather @p0 [hbm4b:s3+s11], $0x80, s10, s11, $0xb8;
	[tilespmem:$0x1E600] =	vst v63  }
0x56: {  	s10 =	simm.s32 @!p0 $0x5  }
0x57: {  	_ =	swait.ge @!p0 [sflag:s10], $0x5000  }
0x58: {  	[sflag:s10] =	ssyncset.done @!p0 $0x0  }
0x59: {  	[sflag:s10] =	ssyncadd.s32 @!p0 $0xFFFFB000;
	s10 =	simm.s32 @!p0 $0x6  }
0x5a: {  	_ =	swait.ge @!p0 [sflag:s10], $0x5000  }
0x5b: {  	[sflag:s10] =	ssyncset.done @!p0 $0x0  }
0x5c: {  	[sflag:s10] =	ssyncadd.s32 @!p0 $0xFFFFB000;
	s10 =	simm.s32 @!p0 $0x1  }
0x5d: {  	_ =	swait.ge @!p0 [sflag:s10], $0xA0  }
0x5e: {  	[sflag:s10] =	ssyncset.done @!p0 $0x0  }
0x5f: {  	[sflag:s10] =	ssyncadd.s32 @!p0 $0xFFFFFF60;
	s10 =	simm.s32 @!p0 $0x2  }
0x60: {  	_ =	swait.ge @!p0 [sflag:s10], $0xA0  }
0x61: {  	s11 =	simm.s32 @!p0 $0x0;
	[sflag:s10] =	ssyncset.done @!p0 $0x0  }
0x62: {  	s18 =	simm.s32 @!p0 $0x200;
	[sflag:s10] =	ssyncadd.s32 @!p0 $0xFFFFFF60;
	s10 =	simm.s32 @!p0 $0xA0  }
0x63: {  	[tilespmem:s18], [sflag:$0x3] =	stream.indirect.gather @!p0 [hbm4b:s2+s10], $0x80, s11, s10, $0xb8;
	[tilespmem:$0x1E600] =	vst v63  }
0x64: {  	s11 =	simm.s32 @!p0 $0x100;
	s18 =	simm.s32 @!p0 $0x5200  }
0x65: {  	[tilespmem:s18], [sflag:$0x4] =	stream.indirect.gather @!p0 [hbm4b:s3+s10], $0x80, s11, s10, $0xb8;
	[tilespmem:$0x1E600] =	vst v63  }
0x66: {  	s11 =	simm.s32 @!p0 $0xB  }
0x67: {  	_ =	swait.ge @!p0 [sflag:s11], $0x5000  }
0x68: {  	[sflag:s11] =	ssyncset.done @!p0 $0x0  }
0x69: {  	[sflag:s11] =	ssyncadd.s32 @!p0 $0xFFFFB000;
	s11 =	simm.s32 @!p0 $0xC  }
0x6a: {  	_ =	swait.ge @!p0 [sflag:s11], $0x5000  }
0x6b: {  	[sflag:s11] =	ssyncset.done @!p0 $0x0  }
0x6c: {  	[sflag:s11] =	ssyncadd.s32 @!p0 $0xFFFFB000;
	s11 =	simm.s32 @!p0 $0x7  }
0x6d: {  	_ =	swait.ge @!p0 [sflag:s11], $0xA0  }
0x6e: {  	[sflag:s11] =	ssyncset.done @!p0 $0x0  }
0x6f: {  	[sflag:s11] =	ssyncadd.s32 @!p0 $0xFFFFFF60;
	s11 =	simm.s32 @!p0 $0x8  }
0x70: {  	_ =	swait.ge @!p0 [sflag:s11], $0xA0  }
0x71: {  	[sflag:s11] =	ssyncset.done @!p0 $0x0  }
0x72: {  	s18 =	simm.s32 @!p0 $0xA400;
	[sflag:s11] =	ssyncadd.s32 @!p0 $0xFFFFFF60;
	s11 =	simm.s32 @!p0 $0xA200  }
0x73: {  	[tilespmem:s18], [sflag:$0x9] =	stream.indirect.gather @!p0 [hbm4b:s2+s10], $0x80, s11, s10, $0xb8;
	[tilespmem:$0x1E600] =	vst v63  }
0x74: {  	s11 =	simm.s32 @!p0 $0xA300;
	s18 =	simm.s32 @!p0 $0xF400  }
0x75: {  	[tilespmem:s18], [sflag:$0xA] =	stream.indirect.gather @!p0 [hbm4b:s3+s10], $0x80, s11, s10, $0xb8;
	[tilespmem:$0x1E600] =	vst v63  }
0x76: {  	s10 =	simm.s32 @!p0 $0x11  }
0x77: {  	_ =	swait.ge @!p0 [sflag:s10], $0x5000  }
0x78: {  	[sflag:s10] =	ssyncset.done @!p0 $0x0  }
0x79: {  	[sflag:s10] =	ssyncadd.s32 @!p0 $0xFFFFB000;
	s10 =	simm.s32 @!p0 $0x12  }
0x7a: {  	_ =	swait.ge @!p0 [sflag:s10], $0x5000  }
0x7b: {  	[sflag:s10] =	ssyncset.done @!p0 $0x0  }
0x7c: {  	[sflag:s10] =	ssyncadd.s32 @!p0 $0xFFFFB000  }
0x7d: {  	_ =	swait.ge [sflag:s24], $0xA0  }
0x7e: {  	[sflag:s24] =	ssyncset.done $0x0  }
0x7f: {  	[sflag:s24] =	ssyncadd.s32 $0xFFFFFF60  }
0x80: {  	_ =	swait.ge [sflag:s25], $0xA0  }
0x81: {  	[sflag:s25] =	ssyncset.done $0x0  }
0x82: {  	[sflag:s25] =	ssyncadd.s32 $0xFFFFFF60  }
0x83: {  	[tilespmem:s28], [sflag:$0xF] =	stream.indirect.gather [hbm4b:s2+s26], $0x80, s22, s26, $0xb8;
	[tilespmem:$0x1E600] =	vst v63  }
0x84: {  	_ = 	snop  }
0x85: {  	[tilespmem:s29], [sflag:$0x10] =	stream.indirect.gather [hbm4b:s3+s26], $0x80, s23, s26, $0xb8;
	[tilespmem:$0x1E600] =	vst v63  }
0x86: {  	_ =	swait.ge [sflag:s30], $0x5000  }
0x87: {  	[sflag:s30] =	ssyncset.done $0x0  }
0x88: {  	[sflag:s30] =	ssyncadd.s32 $0xFFFFB000  }
0x89: {  	_ =	swait.ge [sflag:s31], $0x5000  }
0x8a: {  	s0 =	simm.s32 $0x200;
	s1 =	simm.s32 $0x5200;
	[sflag:s31] =	ssyncset.done $0x0  }
0x8b: {  	s10 =	sadd.s32 s13, s15;
	p0 =	seq.s32 s13, $0xB400;
	[sflag:s31] =	ssyncadd.s32 $0xFFFFB000  }
0x8c: {  	[hbm4b:s10+s6] =	stream.linear.scatter [tilespmem:s0], [sflag:$0x5], $0x5000, $0x38;
	[tilespmem:$0x1E600] =	vst v63  }
0x8d: {  	s11 =	sadd.s32 s13, s16;
	s18 =	sshrl.u32 @!p0 s12, $0x3;
	s0 =	rddreg [dreg:$0x2]  }
0x8e: {  	[hbm4b:s11+s6] =	stream.linear.scatter [tilespmem:s1], [sflag:$0x6], $0x5000, $0x38;
	[tilespmem:$0x1E600] =	vst v63  }
0x8f: {  	s0 =	sadd.s32 @!p0 s0, s18;
	s1 =	simm.s32 @!p0 $0x0  }
0x90: {  	[tilespmem:s1], [sflag:$0x1] =	stream.linear.gather @!p0 [hbm4b:s0+s1], $0xA0, $0x38;
	[tilespmem:$0x1E600] =	vst v63  }
0x91: {  	s0 =	rddreg [dreg:$0x3]  }
0x92: {  	s0 =	sadd.s32 @!p0 s0, s18;
	s18 =	simm.s32 @!p0 $0x100  }
0x93: {  	[tilespmem:s18], [sflag:$0x2] =	stream.linear.gather @!p0 [hbm4b:s0+s1], $0xA0, $0x38;
	[tilespmem:$0x1E600] =	vst v63  }
0x94: {  	_ =	swait.ge [sflag:s19], $0x5000  }
0x95: {  	[sflag:s19] =	ssyncset.done $0x0  }
0x96: {  	[sflag:s19] =	ssyncadd.s32 $0xFFFFB000  }
0x97: {  	_ =	swait.ge [sflag:s20], $0x5000  }
0x98: {  	[sflag:s20] =	ssyncset.done $0x0  }
0x99: {  	s18 =	sadd.s32 $0xA00, s10;
	[sflag:s20] =	ssyncadd.s32 $0xFFFFB000  }
0x9a: {  	[hbm4b:s18+s6] =	stream.linear.scatter [tilespmem:s21], [sflag:$0xB], $0x5000, $0x38;
	[tilespmem:$0x1E600] =	vst v63  }
0x9b: {  	s18 =	sadd.s32 $0xA00, s11  }
0x9c: {  	[hbm4b:s18+s6] =	stream.linear.scatter [tilespmem:s7], [sflag:$0xC], $0x5000, $0x38;
	[tilespmem:$0x1E600] =	vst v63  }
0x9d: {  	s0 =	sadd.s32 @!p0 s4, s17;
	s18 =	simm.s32 @!p0 $0xA200  }
0x9e: {  	[tilespmem:s18], [sflag:$0x7] =	stream.linear.gather @!p0 [hbm4b:s0+s1], $0xA0, $0x38;
	[tilespmem:$0x1E600] =	vst v63  }
0x9f: {  	s0 =	sadd.s32 @!p0 s5, s17;
	s18 =	simm.s32 @!p0 $0xA300  }
0xa0: {  	[tilespmem:s18], [sflag:$0x8] =	stream.linear.gather @!p0 [hbm4b:s0+s1], $0xA0, $0x38;
	[tilespmem:$0x1E600] =	vst v63  }
0xa1: {  	_ =	swait.ge [sflag:s8], $0x5000  }
0xa2: {  	[sflag:s8] =	ssyncset.done $0x0  }
0xa3: {  	[sflag:s8] =	ssyncadd.s32 $0xFFFFB000  }
0xa4: {  	_ =	swait.ge [sflag:s9], $0x5000  }
.Ltmp2:
0xa5: {  	[sflag:s9] =	ssyncset.done $0x0;
	(pc) =	sbr.rel @p0 .LBB2_4-.Ltmp2, $4  }
0xa6: {  	s10 =	sadd.s32 $0x1400, s10;
	[sflag:s9] =	ssyncadd.s32 $0xFFFFB000  }
0xa7: {  	[hbm4b:s10+s6] =	stream.linear.scatter [tilespmem:s28], [sflag:$0x11], $0x5000, $0x38;
	[tilespmem:$0x1E600] =	vst v63  }
0xa8: {  	s18 =	sadd.s32 $0x1400, s11  }
0xa9: {  	[hbm4b:s18+s6] =	stream.linear.scatter [tilespmem:s29], [sflag:$0x12], $0x5000, $0x38;
	[tilespmem:$0x1E600] =	vst v63  }
.Ltmp3:
0xaa: {  	(pc) =	sbr.rel .LBB2_2-.Ltmp3, $4  }
0xab: {  	s0 =	sadd.s32 s4, s14;
	s18 =	sadd.s32 s5, s14;
	s5 =	sadd.s32 $0x3C, s5  }
0xac: {  	[tilespmem:s22], [sflag:$0xD] =	stream.linear.gather [hbm4b:s0+s6], $0xA0, $0x38;
	[tilespmem:$0x1E600] =	vst v63  }
0xad: {  	s4 =	sadd.s32 $0x3C, s4;
	s13 =	sadd.s32 $0x1E00, s13;
	s12 =	sadd.s32 $0x1E0, s12  }
0xae: {  	[tilespmem:s23], [sflag:$0xE] =	stream.linear.gather [hbm4b:s18+s6], $0xA0, $0x38;
	[tilespmem:$0x1E600] =	vst v63  }
.LBB2_5:
0xaf: {  	_ =	sfence.sel $0x180000  }
0xb0: {  	[bflag:$0x0] =	sbarrier.arrive $0xFFFF  }
0xb1: {  	_ =	strace $0x90000047  }
0xb2: {  	s0 =	stileid.u32;
	[bflag:$0x2] =	sbarrier.arrive $0xFFFF  }
0xb3: {  	p0 =	sne.s32 s0, $0x0;
	s0 =	rddreg [dreg:$0x4]  }
0xb4: {  	s0 =	sadd.s32 @!p0 $0x100000, s0  }
0xb5: {  	[sflag:s0] =	ssyncadd.tile.s32 @!p0 $0x1;
	_ =	shalt  }
.Lfunc_end2:
_tile_overlayer_lowered:
.L_overlay_start_2:
0xb6: {  	(tag) =	ssettag $0x2  }
0xb7: {  	s0 =	rddreg [dreg:$0x0];
	s2 =	stileid.u32  }
0xb8: {  	s1 =	rddreg [dreg:$0x1];
	p0 =	sne.s32 s2, $0x0  }
0xb9: {  	s3 =	rddreg [dreg:$0x2];
	[bflag:$0x3] =	sbarrier.arrive $0xFFFF;
	s2 =	simm.s32 @!p0 $0x1C13  }
0xba: {  	[timem:s3], [sflag:s2] =	dma.local @!p0 [hbm:s0], s1  }
0xbb: {  	s0 =	simm.s32 @!p0 $0x13  }
0xbc: {  	_ =	swait.ge @!p0 [sflag:s0], s1  }
0xbd: {  	s1 =	ssub.s32 @!p0 $0x0, s1;
	[sflag:s0] =	ssyncset.done @!p0 $0x0  }
0xbe: {  	[sflag:s0] =	ssyncadd.s32 @!p0 s1  }
0xbf: {  	[bflag:$0x3] =	sbarrier.arrive $0xFFFF  }
0xc0: {  	_ =	shalt  }

</sc_bundles>
